<compile_context>
chip_gen: v7x
topology: tpu7x:2x2x1
jax: 0.10.2.dev20260603
libtpu: 0.0.44.dev20260713+nightly
codegen_flags: <defaults>
</compile_context>

<pallas_src>
import functools

import jax
import jax.numpy as jnp
from jax import lax
from jax.experimental import pallas as pl
from jax.experimental.pallas import tpu as pltpu
from jax.experimental.pallas import tpu_sc as plsc

_V = 8192
_D = 256
_B = 16
_S = 576
_N = _B * _S
_CHUNK = 1024
_NCHUNK = _V // _CHUNK

_NC, _NS = 2, 16
_NW = _NC * _NS
_BPW = _N // _NW
_GCH = 96
_NGC = _BPW // _GCH


def _wnorm_body(w_ref, out_ref):
    w = w_ref[...]
    n = jnp.sqrt(jnp.sum(w * w, axis=1, keepdims=True))
    out_ref[...] = _rne_bf16(w / jnp.maximum(n, 1e-12))


def _normalize_w(W):
    return pl.pallas_call(
        _wnorm_body,
        out_shape=jax.ShapeDtypeStruct((_V, _D), jnp.bfloat16),
    )(W)


_WINS = (0, 2736, 5472, 8192)


def _rne_bf16_f32(a):
    u = lax.bitcast_convert_type(a, jnp.uint32)
    lsb = (u >> 16) & jnp.uint32(1)
    r = (u + jnp.uint32(0x7FFF) + lsb) & jnp.uint32(0xFFFF0000)
    return lax.bitcast_convert_type(r, jnp.float32)


def _rne_bf16(a):
    return _rne_bf16_f32(a).astype(jnp.bfloat16)


def _argmin_body(x_ref, w_ref, idx_ref):
    x = x_ref[0]
    xn = jnp.sqrt(jnp.sum(x * x, axis=0, keepdims=True))
    xh = x / jnp.maximum(xn, 1e-12)
    x16 = _rne_bf16(xh)
    bv = jnp.full((1, _S), jnp.inf, jnp.float32)
    bi = jnp.zeros((1, _S), jnp.int32)
    dims = (((1,), (0,)), ((), ()))
    for k in range(len(_WINS) - 1):
        start = _WINS[k]
        n = _WINS[k + 1] - start
        w = w_ref[pl.ds(start, n), :]
        cs = lax.dot_general(w, x16, dims,
                             preferred_element_type=jnp.float32)
        d = 1.0 - cs
        lmin = jnp.min(d, axis=0, keepdims=True)
        rows = lax.broadcasted_iota(jnp.int32, d.shape, 0) + start
        li = jnp.min(jnp.where(d == lmin, rows, jnp.int32(2**30)),
                     axis=0, keepdims=True)
        take = lmin < bv
        bv = jnp.where(take, lmin, bv)
        bv = _rne_bf16_f32(bv)
        bi = jnp.where(take, li, bi)
    idx_ref[0] = bi


def _argmin(inputs, W_hat):
    return pl.pallas_call(
        _argmin_body,
        grid=(_B,),
        in_specs=[
            pl.BlockSpec((1, _D, _S), lambda b: (b, 0, 0)),
            pl.BlockSpec((_V, _D), lambda b: (0, 0)),
        ],
        out_specs=pl.BlockSpec((1, 1, _S), lambda b: (b, 0, 0)),
        out_shape=jax.ShapeDtypeStruct((_B, 1, _S), jnp.int32),
        compiler_params=pltpu.CompilerParams(
            dimension_semantics=("arbitrary",)),
    )(inputs, W_hat)


def _sc_gather_kernel():
    mesh = plsc.VectorSubcoreMesh(core_axis_name="c", subcore_axis_name="s")

    @functools.partial(
        pl.kernel,
        mesh=mesh,
        out_type=(
            jax.ShapeDtypeStruct((_N, _D), jnp.float32),
            jax.ShapeDtypeStruct((_NC, _V), jnp.float32),
        ),
        scratch_types=(
            [pltpu.VMEM((_GCH,), jnp.int32) for _ in range(_NGC)]
            + [pltpu.VMEM((_GCH, _D), jnp.float32) for _ in range(_NGC)]
            + [pltpu.VMEM((_GCH,), jnp.float32)]
            + [pltpu.VMEM((_V,), jnp.float32)]
            + [pltpu.VMEM_SHARED((_V,), jnp.float32)]
            + [pltpu.SemaphoreType.DMA for _ in range(_NGC)]
        ),
    )
    def k(idx_hbm, w_hbm, q_hbm, part_hbm,
          i0, i1, i2, r0, r1, r2, ones_u, zbuf, shared, s0, s1, s2):
        cid = lax.axis_index("c")
        sid = lax.axis_index("s")
        wid = sid * _NC + cid
        base = wid * _BPW
        ibufs = (i0, i1, i2)
        rbufs = (r0, r1, r2)
        sems = (s0, s1, s2)
        for c in range(_NGC):
            pltpu.sync_copy(idx_hbm.at[pl.ds(base + c * _GCH, _GCH)],
                            ibufs[c])
        copies = [pltpu.async_copy(w_hbm.at[ibufs[c]], rbufs[c], sems[c])
                  for c in range(_NGC)]

        ones16 = jnp.ones((16,), jnp.float32)
        zeros16 = jnp.zeros((16,), jnp.float32)

        def _ones(i, carry):
            ones_u[pl.ds(i * 16, 16)] = ones16
            return carry

        lax.fori_loop(0, _GCH // 16, _ones, 0)

        @pl.when(sid == 0)
        def _():
            def _zero(i, carry):
                zbuf[pl.ds(i * 16, 16)] = zeros16
                return carry

            lax.fori_loop(0, _V // 16, _zero, 0)
            pltpu.sync_copy(zbuf, shared)

        plsc.subcore_barrier()
        for c in range(_NGC):
            pltpu.sync_copy(ones_u, shared.at[ibufs[c]], add=True)
        plsc.subcore_barrier()

        @pl.when(sid == 0)
        def _():
            pltpu.sync_copy(shared, part_hbm.at[cid])

        for c in range(_NGC):
            copies[c].wait()
            pltpu.sync_copy(rbufs[c], q_hbm.at[pl.ds(base + c * _GCH, _GCH)])

    return k


def _fin_body(q_ref, x_ref, part_ref, out_ref, loss_ref, perp_ref, acc_ref):
    b = pl.program_id(0)
    qt = q_ref[0].T
    x = x_ref[0]
    diff = qt - x
    out_ref[0] = x + diff
    s = jnp.sum(diff * diff)

    @pl.when(b == 0)
    def _():
        acc_ref[0, 0] = s

    @pl.when(b > 0)
    def _():
        acc_ref[0, 0] = acc_ref[0, 0] + s

    @pl.when(b == _B - 1)
    def _():
        total = acc_ref[0, 0]
        m = total / jnp.float32(_N * _D)
        loss_ref[...] = jnp.reshape(m + jnp.float32(0.25) * m, (1, 1))
        counts = jnp.sum(part_ref[...], axis=0)
        p = counts / jnp.float32(_N)
        ent = jnp.sum(p * jnp.log(p + 1e-10))
        perp_ref[...] = jnp.reshape(jnp.exp(-ent), (1, 1))


def _finalize(q3, inputs, part):
    return pl.pallas_call(
        _fin_body,
        grid=(_B,),
        in_specs=[
            pl.BlockSpec((1, _S, _D), lambda b: (b, 0, 0)),
            pl.BlockSpec((1, _D, _S), lambda b: (b, 0, 0)),
            pl.BlockSpec((_NC, _V), lambda b: (0, 0)),
        ],
        out_specs=[
            pl.BlockSpec((1, _D, _S), lambda b: (b, 0, 0)),
            pl.BlockSpec((1, 1), lambda b: (0, 0)),
            pl.BlockSpec((1, 1), lambda b: (0, 0)),
        ],
        out_shape=[
            jax.ShapeDtypeStruct((_B, _D, _S), jnp.float32),
            jax.ShapeDtypeStruct((1, 1), jnp.float32),
            jax.ShapeDtypeStruct((1, 1), jnp.float32),
        ],
        scratch_shapes=[pltpu.SMEM((1, 1), jnp.float32)],
        compiler_params=pltpu.CompilerParams(
            dimension_semantics=("arbitrary",)),
    )(q3, inputs, part)


def kernel(inputs, W):
    W_hat = _normalize_w(W)
    idx3 = _argmin(inputs, W_hat)
    idx_flat = idx3.reshape(_N)
    q_flat, part = _sc_gather_kernel()(idx_flat, W)
    q3 = q_flat.reshape(_B, _S, _D)
    quant, loss, perp = _finalize(q3, inputs, part)
    return quant, loss[0, 0], perp[0, 0]

# --- scband reference (transcript-rebuilt; emitter-appended) ---
"""Pipeline reference for scband-vector-quantizer-57655640981566 (READ-ONLY COPY).

The authoritative reference and input builder live on the scoring server;
editing this copy changes nothing except your own understanding.
"""

import jax, jax.numpy as jnp
import numpy as np

NUM_EMBEDDINGS = 8192
EMBEDDING_DIM = 256
COMMITMENT_COST = 0.25


def setup_inputs(seed: int = 0) -> dict:
    key = jax.random.key(seed)
    k1, k2 = jax.random.split(key)
    inputs = jax.random.normal(k1, (16, 256, 576), dtype=jnp.float32)
    W = jax.random.uniform(k2, (NUM_EMBEDDINGS, EMBEDDING_DIM), dtype=jnp.float32,
                           minval=-1.0 / NUM_EMBEDDINGS, maxval=1.0 / NUM_EMBEDDINGS)
    return {"inputs": inputs, "W": W}


def _l2_normalize(x, axis, eps=1e-12):
    n = jnp.sqrt(jnp.sum(x * x, axis=axis, keepdims=True))
    return x / jnp.maximum(n, eps)


def reference(inputs, W):
    # inputs: (B, D, S) -> permute to (B, S, D)
    x = jnp.transpose(inputs, (0, 2, 1))
    input_shape = x.shape
    flat_input = x.reshape(-1, EMBEDDING_DIM)
    flat_input_norm = _l2_normalize(flat_input, axis=1)
    embedding_norm = _l2_normalize(W, axis=1)
    cosine_sim = jnp.matmul(flat_input_norm, embedding_norm.T)
    distances = 1.0 - cosine_sim
    encoding_indices = jnp.argmin(distances, axis=1)
    encodings = jax.nn.one_hot(encoding_indices, NUM_EMBEDDINGS, dtype=jnp.float32)
    quantized = jnp.matmul(encodings, W).reshape(input_shape)
    e_latent_loss = jnp.mean((jax.lax.stop_gradient(quantized) - x) ** 2)
    q_latent_loss = jnp.mean((quantized - jax.lax.stop_gradient(x)) ** 2)
    loss = q_latent_loss + COMMITMENT_COST * e_latent_loss
    quantized = x + jax.lax.stop_gradient(quantized - x)
    avg_probs = jnp.mean(encodings, axis=0)
    perplexity = jnp.exp(-jnp.sum(avg_probs * jnp.log(avg_probs + 1e-10)))
    quantized = jnp.transpose(quantized, (0, 2, 1))
    return quantized, loss, perplexity

if __name__ == "__main__":
    import jax
    _d = setup_inputs()
    print(jax.jit(kernel)(*tuple(_d.values())))

</pallas_src>

<mosaic_0001>
#map = affine_map<(d0, d1) -> (0)>
#map1 = affine_map<(d0, d1) -> (0, 0)>
module attributes {stable_mosaic.version = 14 : i64} {
  func.func @k(%arg0: i32, %arg1: i32, %arg2: memref<9216xi32, #tpu.memory_space<hbm>>, %arg3: memref<8192x256xf32, #tpu.memory_space<hbm>>, %arg4: memref<9216x256xf32, #tpu.memory_space<hbm>>, %arg5: memref<2x8192xf32, #tpu.memory_space<hbm>>, %arg6: memref<96xi32, #tpu.memory_space<vmem>>, %arg7: memref<96xi32, #tpu.memory_space<vmem>>, %arg8: memref<96xi32, #tpu.memory_space<vmem>>, %arg9: memref<96x256xf32, #tpu.memory_space<vmem>>, %arg10: memref<96x256xf32, #tpu.memory_space<vmem>>, %arg11: memref<96x256xf32, #tpu.memory_space<vmem>>, %arg12: memref<96xf32, #tpu.memory_space<vmem>>, %arg13: memref<8192xf32, #tpu.memory_space<vmem>>, %arg14: memref<8192xf32, #tpu.memory_space<vmem_shared>>, %arg15: memref<!tpu.dma_semaphore, #tpu.memory_space<semaphore_mem>>, %arg16: memref<!tpu.dma_semaphore, #tpu.memory_space<semaphore_mem>>, %arg17: memref<!tpu.dma_semaphore, #tpu.memory_space<semaphore_mem>>) attributes {dimension_semantics = [#tpu.dimension_semantics<core_parallel>, #tpu.dimension_semantics<subcore_parallel>], iteration_bounds = array<i64: 2, 16>, scalar_prefetch = 0 : i64, scratch_operands = 12 : i64, tpu.core_type = #tpu.core_type<sc_vector_subcore>, window_params = [{transform_indices = #map}, {transform_indices = #map1}, {transform_indices = #map1}, {transform_indices = #map1}]} {
    %mul3A = arith.constant 2 : i32
    %mul3A_0 = arith.muli %arg1, %mul3A : i32
    %add3A = arith.addi %mul3A_0, %arg0 : i32
    %mul3A_1 = arith.constant 288 : i32
    %mul3A_2 = arith.muli %add3A, %mul3A_1 : i32
    %add3A_3 = arith.constant 0 : i32
    %add3A_4 = arith.addi %mul3A_2, %add3A_3 : i32
    "tpu.region"() ({
      %run_scoped3A = tpu.sem_alloc : memref<!tpu.dma_semaphore, #tpu.memory_space<semaphore_mem>>
      %dma_start3A_47 = tpu.memref_slice %arg2[%add3A_4] : memref<9216xi32, #tpu.memory_space<hbm>> -> memref<96xi32, #tpu.memory_space<hbm>>
      %dma_start3A_48 = tpu.memref_slice %arg2[%add3A_4] : memref<9216xi32, #tpu.memory_space<hbm>> -> memref<96xi32, #tpu.memory_space<hbm>>
      tpu.enqueue_dma source(%dma_start3A_48 : memref<96xi32, #tpu.memory_space<hbm>>) target(%arg6 : memref<96xi32, #tpu.memory_space<vmem>>) target_semaphore(%run_scoped3A : memref<!tpu.dma_semaphore, #tpu.memory_space<semaphore_mem>>)
      %dma_wait3A_49 = tpu.memref_slice %arg2[%add3A_4] : memref<9216xi32, #tpu.memory_space<hbm>> -> memref<96xi32, #tpu.memory_space<hbm>>
      %dma_wait3A_50 = tpu.memref_slice %arg2[%add3A_4] : memref<9216xi32, #tpu.memory_space<hbm>> -> memref<96xi32, #tpu.memory_space<hbm>>
      tpu.wait_dma2 semaphore(%run_scoped3A : memref<!tpu.dma_semaphore, #tpu.memory_space<semaphore_mem>>) src(%dma_wait3A_50 : memref<96xi32, #tpu.memory_space<hbm>>) dst(%arg6 : memref<96xi32, #tpu.memory_space<vmem>>)
      tpu.yield
    }) : () -> ()
    %add3A_5 = arith.constant 96 : i32
    %add3A_6 = arith.addi %mul3A_2, %add3A_5 : i32
    "tpu.region"() ({
      %run_scoped3A = tpu.sem_alloc : memref<!tpu.dma_semaphore, #tpu.memory_space<semaphore_mem>>
      %dma_start3A_47 = tpu.memref_slice %arg2[%add3A_6] : memref<9216xi32, #tpu.memory_space<hbm>> -> memref<96xi32, #tpu.memory_space<hbm>>
      %dma_start3A_48 = tpu.memref_slice %arg2[%add3A_6] : memref<9216xi32, #tpu.memory_space<hbm>> -> memref<96xi32, #tpu.memory_space<hbm>>
      tpu.enqueue_dma source(%dma_start3A_48 : memref<96xi32, #tpu.memory_space<hbm>>) target(%arg7 : memref<96xi32, #tpu.memory_space<vmem>>) target_semaphore(%run_scoped3A : memref<!tpu.dma_semaphore, #tpu.memory_space<semaphore_mem>>)
      %dma_wait3A_49 = tpu.memref_slice %arg2[%add3A_6] : memref<9216xi32, #tpu.memory_space<hbm>> -> memref<96xi32, #tpu.memory_space<hbm>>
      %dma_wait3A_50 = tpu.memref_slice %arg2[%add3A_6] : memref<9216xi32, #tpu.memory_space<hbm>> -> memref<96xi32, #tpu.memory_space<hbm>>
      tpu.wait_dma2 semaphore(%run_scoped3A : memref<!tpu.dma_semaphore, #tpu.memory_space<semaphore_mem>>) src(%dma_wait3A_50 : memref<96xi32, #tpu.memory_space<hbm>>) dst(%arg7 : memref<96xi32, #tpu.memory_space<vmem>>)
      tpu.yield
    }) : () -> ()
    %add3A_7 = arith.constant 192 : i32
    %add3A_8 = arith.addi %mul3A_2, %add3A_7 : i32
    "tpu.region"() ({
      %run_scoped3A = tpu.sem_alloc : memref<!tpu.dma_semaphore, #tpu.memory_space<semaphore_mem>>
      %dma_start3A_47 = tpu.memref_slice %arg2[%add3A_8] : memref<9216xi32, #tpu.memory_space<hbm>> -> memref<96xi32, #tpu.memory_space<hbm>>
      %dma_start3A_48 = tpu.memref_slice %arg2[%add3A_8] : memref<9216xi32, #tpu.memory_space<hbm>> -> memref<96xi32, #tpu.memory_space<hbm>>
      tpu.enqueue_dma source(%dma_start3A_48 : memref<96xi32, #tpu.memory_space<hbm>>) target(%arg8 : memref<96xi32, #tpu.memory_space<vmem>>) target_semaphore(%run_scoped3A : memref<!tpu.dma_semaphore, #tpu.memory_space<semaphore_mem>>)
      %dma_wait3A_49 = tpu.memref_slice %arg2[%add3A_8] : memref<9216xi32, #tpu.memory_space<hbm>> -> memref<96xi32, #tpu.memory_space<hbm>>
      %dma_wait3A_50 = tpu.memref_slice %arg2[%add3A_8] : memref<9216xi32, #tpu.memory_space<hbm>> -> memref<96xi32, #tpu.memory_space<hbm>>
      tpu.wait_dma2 semaphore(%run_scoped3A : memref<!tpu.dma_semaphore, #tpu.memory_space<semaphore_mem>>) src(%dma_wait3A_50 : memref<96xi32, #tpu.memory_space<hbm>>) dst(%arg8 : memref<96xi32, #tpu.memory_space<vmem>>)
      tpu.yield
    }) : () -> ()
    %dma_start3A = arith.constant 0 : i32
    %dma_start3A_9 = arith.constant 0 : i32
    %dma_start3A_10 = tpu.memref_slice %arg3[%dma_start3A, %dma_start3A_9] : memref<8192x256xf32, #tpu.memory_space<hbm>> -> memref<8192x256xf32, #tpu.memory_space<hbm>>
    tpu.enqueue_indirect_dma source(%dma_start3A_10 : memref<8192x256xf32, #tpu.memory_space<hbm>>) target(%arg9 : memref<96x256xf32, #tpu.memory_space<vmem>>) offsets(%arg6 : memref<96xi32, #tpu.memory_space<vmem>>) semaphore(%arg15 : memref<!tpu.dma_semaphore, #tpu.memory_space<semaphore_mem>>)
    %dma_start3A_11 = arith.constant 0 : i32
    %dma_start3A_12 = arith.constant 0 : i32
    %dma_start3A_13 = tpu.memref_slice %arg3[%dma_start3A_11, %dma_start3A_12] : memref<8192x256xf32, #tpu.memory_space<hbm>> -> memref<8192x256xf32, #tpu.memory_space<hbm>>
    tpu.enqueue_indirect_dma source(%dma_start3A_13 : memref<8192x256xf32, #tpu.memory_space<hbm>>) target(%arg10 : memref<96x256xf32, #tpu.memory_space<vmem>>) offsets(%arg7 : memref<96xi32, #tpu.memory_space<vmem>>) semaphore(%arg16 : memref<!tpu.dma_semaphore, #tpu.memory_space<semaphore_mem>>)
    %dma_start3A_14 = arith.constant 0 : i32
    %dma_start3A_15 = arith.constant 0 : i32
    %dma_start3A_16 = tpu.memref_slice %arg3[%dma_start3A_14, %dma_start3A_15] : memref<8192x256xf32, #tpu.memory_space<hbm>> -> memref<8192x256xf32, #tpu.memory_space<hbm>>
    tpu.enqueue_indirect_dma source(%dma_start3A_16 : memref<8192x256xf32, #tpu.memory_space<hbm>>) target(%arg11 : memref<96x256xf32, #tpu.memory_space<vmem>>) offsets(%arg8 : memref<96xi32, #tpu.memory_space<vmem>>) semaphore(%arg17 : memref<!tpu.dma_semaphore, #tpu.memory_space<semaphore_mem>>)
    %broadcast_in_dim3A = arith.constant 1.000000e+00 : f32
    %broadcast_in_dim3A_17 = vector.broadcast %broadcast_in_dim3A : f32 to vector<16xf32>
    %broadcast_in_dim3A_18 = arith.constant 0.000000e+00 : f32
    %broadcast_in_dim3A_19 = vector.broadcast %broadcast_in_dim3A_18 : f32 to vector<16xf32>
    %scan3A = arith.constant 0 : i32
    %scan3A_20 = arith.constant 0 : i32
    %scan3A_21 = arith.constant 6 : i32
    %scan3A_22 = arith.addi %scan3A_20, %scan3A_21 : i32
    %scan3A_23 = arith.constant 1 : i32
    scf.for %scan3A_47 = %scan3A_20 to %scan3A_22 step %scan3A_23  : i32 {
      %mul3A_48 = arith.constant 16 : i32
      %mul3A_49 = arith.muli %scan3A_47, %mul3A_48 : i32
      %swap3A = arith.index_cast %mul3A_49 : i32 to index
      %swap3A_50 = tpu.vector_load %arg12[%swap3A] {strides = array<i32>} : memref<96xf32, #tpu.memory_space<vmem>>, vector<16xf32>,
      %swap3A_51 = vector.shape_cast %swap3A_50 : vector<16xf32> to vector<16xf32>
      %swap3A_52 = vector.shape_cast %broadcast_in_dim3A_17 : vector<16xf32> to vector<16xf32>
      tpu.vector_store %arg12[%swap3A], %swap3A_52 {strides = array<i32>} : memref<96xf32, #tpu.memory_space<vmem>>, vector<16xf32>,
    }
    %scan3A_24 = arith.constant 6 : i32
    %eq3A = arith.constant 0 : i32
    %eq3A_25 = arith.cmpi eq, %arg1, %eq3A : i32
    %convert_element_type3A = arith.extui %eq3A_25 : i1 to i32
    %cond3A = arith.constant 0 : i32
    %cond3A_26 = arith.cmpi ne, %convert_element_type3A, %cond3A : i32
    scf.if %cond3A_26 {
      %scan3A_47 = arith.constant 0 : i32
      %scan3A_48 = arith.constant 0 : i32
      %scan3A_49 = arith.constant 512 : i32
      %scan3A_50 = arith.addi %scan3A_48, %scan3A_49 : i32
      %scan3A_51 = arith.constant 1 : i32
      scf.for %scan3A_53 = %scan3A_48 to %scan3A_50 step %scan3A_51  : i32 {
        %mul3A_54 = arith.constant 16 : i32
        %mul3A_55 = arith.muli %scan3A_53, %mul3A_54 : i32
        %swap3A = arith.index_cast %mul3A_55 : i32 to index
        %swap3A_56 = tpu.vector_load %arg13[%swap3A] {strides = array<i32>} : memref<8192xf32, #tpu.memory_space<vmem>>, vector<16xf32>,
        %swap3A_57 = vector.shape_cast %swap3A_56 : vector<16xf32> to vector<16xf32>
        %swap3A_58 = vector.shape_cast %broadcast_in_dim3A_19 : vector<16xf32> to vector<16xf32>
        tpu.vector_store %arg13[%swap3A], %swap3A_58 {strides = array<i32>} : memref<8192xf32, #tpu.memory_space<vmem>>, vector<16xf32>,
      }
      %scan3A_52 = arith.constant 512 : i32
      "tpu.region"() ({
        %run_scoped3A = tpu.sem_alloc : memref<!tpu.dma_semaphore, #tpu.memory_space<semaphore_mem>>
        tpu.enqueue_dma source(%arg13 : memref<8192xf32, #tpu.memory_space<vmem>>) target(%arg14 : memref<8192xf32, #tpu.memory_space<vmem_shared>>) target_semaphore(%run_scoped3A : memref<!tpu.dma_semaphore, #tpu.memory_space<semaphore_mem>>)
        tpu.wait_dma2 semaphore(%run_scoped3A : memref<!tpu.dma_semaphore, #tpu.memory_space<semaphore_mem>>) src(%arg13 : memref<8192xf32, #tpu.memory_space<vmem>>) dst(%arg14 : memref<8192xf32, #tpu.memory_space<vmem_shared>>)
        tpu.yield
      }) : () -> ()
    } else {
    }
    %barrier3A = arith.constant 0 : index
    tpu.barrier barrier_id(%barrier3A)
    "tpu.region"() ({
      %run_scoped3A = tpu.sem_alloc : memref<!tpu.dma_semaphore, #tpu.memory_space<semaphore_mem>>
      %dma_start3A_47 = arith.constant 0 : i32
      %dma_start3A_48 = tpu.memref_slice %arg14[%dma_start3A_47] : memref<8192xf32, #tpu.memory_space<vmem_shared>> -> memref<8192xf32, #tpu.memory_space<vmem_shared>>
      tpu.enqueue_indirect_dma source(%arg12 : memref<96xf32, #tpu.memory_space<vmem>>) target(%dma_start3A_48 : memref<8192xf32, #tpu.memory_space<vmem_shared>>) offsets(%arg6 : memref<96xi32, #tpu.memory_space<vmem>>) semaphore(%run_scoped3A : memref<!tpu.dma_semaphore, #tpu.memory_space<semaphore_mem>>) {add = true}
      %dma_wait3A_49 = arith.constant 0 : i32
      %dma_wait3A_50 = tpu.memref_slice %arg14[%dma_wait3A_49] : memref<8192xf32, #tpu.memory_space<vmem_shared>> -> memref<8192xf32, #tpu.memory_space<vmem_shared>>
      tpu.wait_indirect_dma semaphore(%run_scoped3A : memref<!tpu.dma_semaphore, #tpu.memory_space<semaphore_mem>>) src(%arg12 : memref<96xf32, #tpu.memory_space<vmem>>) dst(%dma_wait3A_50 : memref<8192xf32, #tpu.memory_space<vmem_shared>>)
      tpu.yield
    }) : () -> ()
    "tpu.region"() ({
      %run_scoped3A = tpu.sem_alloc : memref<!tpu.dma_semaphore, #tpu.memory_space<semaphore_mem>>
      %dma_start3A_47 = arith.constant 0 : i32
      %dma_start3A_48 = tpu.memref_slice %arg14[%dma_start3A_47] : memref<8192xf32, #tpu.memory_space<vmem_shared>> -> memref<8192xf32, #tpu.memory_space<vmem_shared>>
      tpu.enqueue_indirect_dma source(%arg12 : memref<96xf32, #tpu.memory_space<vmem>>) target(%dma_start3A_48 : memref<8192xf32, #tpu.memory_space<vmem_shared>>) offsets(%arg7 : memref<96xi32, #tpu.memory_space<vmem>>) semaphore(%run_scoped3A : memref<!tpu.dma_semaphore, #tpu.memory_space<semaphore_mem>>) {add = true}
      %dma_wait3A_49 = arith.constant 0 : i32
      %dma_wait3A_50 = tpu.memref_slice %arg14[%dma_wait3A_49] : memref<8192xf32, #tpu.memory_space<vmem_shared>> -> memref<8192xf32, #tpu.memory_space<vmem_shared>>
      tpu.wait_indirect_dma semaphore(%run_scoped3A : memref<!tpu.dma_semaphore, #tpu.memory_space<semaphore_mem>>) src(%arg12 : memref<96xf32, #tpu.memory_space<vmem>>) dst(%dma_wait3A_50 : memref<8192xf32, #tpu.memory_space<vmem_shared>>)
      tpu.yield
    }) : () -> ()
    "tpu.region"() ({
      %run_scoped3A = tpu.sem_alloc : memref<!tpu.dma_semaphore, #tpu.memory_space<semaphore_mem>>
      %dma_start3A_47 = arith.constant 0 : i32
      %dma_start3A_48 = tpu.memref_slice %arg14[%dma_start3A_47] : memref<8192xf32, #tpu.memory_space<vmem_shared>> -> memref<8192xf32, #tpu.memory_space<vmem_shared>>
      tpu.enqueue_indirect_dma source(%arg12 : memref<96xf32, #tpu.memory_space<vmem>>) target(%dma_start3A_48 : memref<8192xf32, #tpu.memory_space<vmem_shared>>) offsets(%arg8 : memref<96xi32, #tpu.memory_space<vmem>>) semaphore(%run_scoped3A : memref<!tpu.dma_semaphore, #tpu.memory_space<semaphore_mem>>) {add = true}
      %dma_wait3A_49 = arith.constant 0 : i32
      %dma_wait3A_50 = tpu.memref_slice %arg14[%dma_wait3A_49] : memref<8192xf32, #tpu.memory_space<vmem_shared>> -> memref<8192xf32, #tpu.memory_space<vmem_shared>>
      tpu.wait_indirect_dma semaphore(%run_scoped3A : memref<!tpu.dma_semaphore, #tpu.memory_space<semaphore_mem>>) src(%arg12 : memref<96xf32, #tpu.memory_space<vmem>>) dst(%dma_wait3A_50 : memref<8192xf32, #tpu.memory_space<vmem_shared>>)
      tpu.yield
    }) : () -> ()
    %barrier3A_27 = arith.constant 0 : index
    tpu.barrier barrier_id(%barrier3A_27)
    %eq3A_28 = arith.constant 0 : i32
    %eq3A_29 = arith.cmpi eq, %arg1, %eq3A_28 : i32
    %convert_element_type3A_30 = arith.extui %eq3A_29 : i1 to i32
    %cond3A_31 = arith.constant 0 : i32
    %cond3A_32 = arith.cmpi ne, %convert_element_type3A_30, %cond3A_31 : i32
    scf.if %cond3A_32 {
      "tpu.region"() ({
        %run_scoped3A = tpu.sem_alloc : memref<!tpu.dma_semaphore, #tpu.memory_space<semaphore_mem>>
        %dma_start3A_47 = arith.constant 0 : i32
        %dma_start3A_48 = tpu.memref_slice %arg5[%arg0, %dma_start3A_47] : memref<2x8192xf32, #tpu.memory_space<hbm>> -> memref<1x8192xf32, #tpu.memory_space<hbm>>
        %dma_start3A_49 = tpu.memref_squeeze %dma_start3A_48 : memref<1x8192xf32, #tpu.memory_space<hbm>> -> memref<8192xf32, #tpu.memory_space<hbm>>
        tpu.enqueue_dma source(%arg14 : memref<8192xf32, #tpu.memory_space<vmem_shared>>) target(%dma_start3A_49 : memref<8192xf32, #tpu.memory_space<hbm>>) target_semaphore(%run_scoped3A : memref<!tpu.dma_semaphore, #tpu.memory_space<semaphore_mem>>)
        %dma_wait3A_50 = arith.constant 0 : i32
        %dma_wait3A_51 = tpu.memref_slice %arg5[%arg0, %dma_wait3A_50] : memref<2x8192xf32, #tpu.memory_space<hbm>> -> memref<1x8192xf32, #tpu.memory_space<hbm>>
        %dma_wait3A_52 = tpu.memref_squeeze %dma_wait3A_51 : memref<1x8192xf32, #tpu.memory_space<hbm>> -> memref<8192xf32, #tpu.memory_space<hbm>>
        tpu.wait_dma2 semaphore(%run_scoped3A : memref<!tpu.dma_semaphore, #tpu.memory_space<semaphore_mem>>) src(%arg14 : memref<8192xf32, #tpu.memory_space<vmem_shared>>) dst(%dma_wait3A_52 : memref<8192xf32, #tpu.memory_space<hbm>>)
        tpu.yield
      }) : () -> ()
    } else {
    }
    %dma_wait3A = arith.constant 0 : i32
    %dma_wait3A_33 = arith.constant 0 : i32
    %dma_wait3A_34 = tpu.memref_slice %arg3[%dma_wait3A, %dma_wait3A_33] : memref<8192x256xf32, #tpu.memory_space<hbm>> -> memref<8192x256xf32, #tpu.memory_space<hbm>>
    tpu.wait_indirect_dma semaphore(%arg15 : memref<!tpu.dma_semaphore, #tpu.memory_space<semaphore_mem>>) src(%dma_wait3A_34 : memref<8192x256xf32, #tpu.memory_space<hbm>>) dst(%arg9 : memref<96x256xf32, #tpu.memory_space<vmem>>)
    %add3A_35 = arith.constant 0 : i32
    %add3A_36 = arith.addi %mul3A_2, %add3A_35 : i32
    "tpu.region"() ({
      %run_scoped3A = tpu.sem_alloc : memref<!tpu.dma_semaphore, #tpu.memory_space<semaphore_mem>>
      %dma_start3A_47 = arith.constant 0 : i32
      %dma_start3A_48 = tpu.memref_slice %arg4[%add3A_36, %dma_start3A_47] : memref<9216x256xf32, #tpu.memory_space<hbm>> -> memref<96x256xf32, #tpu.memory_space<hbm>>
      %dma_start3A_49 = arith.constant 0 : i32
      %dma_start3A_50 = tpu.memref_slice %arg4[%add3A_36, %dma_start3A_49] : memref<9216x256xf32, #tpu.memory_space<hbm>> -> memref<96x256xf32, #tpu.memory_space<hbm>>
      tpu.enqueue_dma source(%arg9 : memref<96x256xf32, #tpu.memory_space<vmem>>) target(%dma_start3A_50 : memref<96x256xf32, #tpu.memory_space<hbm>>) target_semaphore(%run_scoped3A : memref<!tpu.dma_semaphore, #tpu.memory_space<semaphore_mem>>)
      %dma_wait3A_51 = arith.constant 0 : i32
      %dma_wait3A_52 = tpu.memref_slice %arg4[%add3A_36, %dma_wait3A_51] : memref<9216x256xf32, #tpu.memory_space<hbm>> -> memref<96x256xf32, #tpu.memory_space<hbm>>
      %dma_wait3A_53 = arith.constant 0 : i32
      %dma_wait3A_54 = tpu.memref_slice %arg4[%add3A_36, %dma_wait3A_53] : memref<9216x256xf32, #tpu.memory_space<hbm>> -> memref<96x256xf32, #tpu.memory_space<hbm>>
      tpu.wait_dma2 semaphore(%run_scoped3A : memref<!tpu.dma_semaphore, #tpu.memory_space<semaphore_mem>>) src(%arg9 : memref<96x256xf32, #tpu.memory_space<vmem>>) dst(%dma_wait3A_54 : memref<96x256xf32, #tpu.memory_space<hbm>>)
      tpu.yield
    }) : () -> ()
    %dma_wait3A_37 = arith.constant 0 : i32
    %dma_wait3A_38 = arith.constant 0 : i32
    %dma_wait3A_39 = tpu.memref_slice %arg3[%dma_wait3A_37, %dma_wait3A_38] : memref<8192x256xf32, #tpu.memory_space<hbm>> -> memref<8192x256xf32, #tpu.memory_space<hbm>>
    tpu.wait_indirect_dma semaphore(%arg16 : memref<!tpu.dma_semaphore, #tpu.memory_space<semaphore_mem>>) src(%dma_wait3A_39 : memref<8192x256xf32, #tpu.memory_space<hbm>>) dst(%arg10 : memref<96x256xf32, #tpu.memory_space<vmem>>)
    %add3A_40 = arith.constant 96 : i32
    %add3A_41 = arith.addi %mul3A_2, %add3A_40 : i32
    "tpu.region"() ({
      %run_scoped3A = tpu.sem_alloc : memref<!tpu.dma_semaphore, #tpu.memory_space<semaphore_mem>>
      %dma_start3A_47 = arith.constant 0 : i32
      %dma_start3A_48 = tpu.memref_slice %arg4[%add3A_41, %dma_start3A_47] : memref<9216x256xf32, #tpu.memory_space<hbm>> -> memref<96x256xf32, #tpu.memory_space<hbm>>
      %dma_start3A_49 = arith.constant 0 : i32
      %dma_start3A_50 = tpu.memref_slice %arg4[%add3A_41, %dma_start3A_49] : memref<9216x256xf32, #tpu.memory_space<hbm>> -> memref<96x256xf32, #tpu.memory_space<hbm>>
      tpu.enqueue_dma source(%arg10 : memref<96x256xf32, #tpu.memory_space<vmem>>) target(%dma_start3A_50 : memref<96x256xf32, #tpu.memory_space<hbm>>) target_semaphore(%run_scoped3A : memref<!tpu.dma_semaphore, #tpu.memory_space<semaphore_mem>>)
      %dma_wait3A_51 = arith.constant 0 : i32
      %dma_wait3A_52 = tpu.memref_slice %arg4[%add3A_41, %dma_wait3A_51] : memref<9216x256xf32, #tpu.memory_space<hbm>> -> memref<96x256xf32, #tpu.memory_space<hbm>>
      %dma_wait3A_53 = arith.constant 0 : i32
      %dma_wait3A_54 = tpu.memref_slice %arg4[%add3A_41, %dma_wait3A_53] : memref<9216x256xf32, #tpu.memory_space<hbm>> -> memref<96x256xf32, #tpu.memory_space<hbm>>
      tpu.wait_dma2 semaphore(%run_scoped3A : memref<!tpu.dma_semaphore, #tpu.memory_space<semaphore_mem>>) src(%arg10 : memref<96x256xf32, #tpu.memory_space<vmem>>) dst(%dma_wait3A_54 : memref<96x256xf32, #tpu.memory_space<hbm>>)
      tpu.yield
    }) : () -> ()
    %dma_wait3A_42 = arith.constant 0 : i32
    %dma_wait3A_43 = arith.constant 0 : i32
    %dma_wait3A_44 = tpu.memref_slice %arg3[%dma_wait3A_42, %dma_wait3A_43] : memref<8192x256xf32, #tpu.memory_space<hbm>> -> memref<8192x256xf32, #tpu.memory_space<hbm>>
    tpu.wait_indirect_dma semaphore(%arg17 : memref<!tpu.dma_semaphore, #tpu.memory_space<semaphore_mem>>) src(%dma_wait3A_44 : memref<8192x256xf32, #tpu.memory_space<hbm>>) dst(%arg11 : memref<96x256xf32, #tpu.memory_space<vmem>>)
    %add3A_45 = arith.constant 192 : i32
    %add3A_46 = arith.addi %mul3A_2, %add3A_45 : i32
    "tpu.region"() ({
      %run_scoped3A = tpu.sem_alloc : memref<!tpu.dma_semaphore, #tpu.memory_space<semaphore_mem>>
      %dma_start3A_47 = arith.constant 0 : i32
      %dma_start3A_48 = tpu.memref_slice %arg4[%add3A_46, %dma_start3A_47] : memref<9216x256xf32, #tpu.memory_space<hbm>> -> memref<96x256xf32, #tpu.memory_space<hbm>>
      %dma_start3A_49 = arith.constant 0 : i32
      %dma_start3A_50 = tpu.memref_slice %arg4[%add3A_46, %dma_start3A_49] : memref<9216x256xf32, #tpu.memory_space<hbm>> -> memref<96x256xf32, #tpu.memory_space<hbm>>
      tpu.enqueue_dma source(%arg11 : memref<96x256xf32, #tpu.memory_space<vmem>>) target(%dma_start3A_50 : memref<96x256xf32, #tpu.memory_space<hbm>>) target_semaphore(%run_scoped3A : memref<!tpu.dma_semaphore, #tpu.memory_space<semaphore_mem>>)
      %dma_wait3A_51 = arith.constant 0 : i32
      %dma_wait3A_52 = tpu.memref_slice %arg4[%add3A_46, %dma_wait3A_51] : memref<9216x256xf32, #tpu.memory_space<hbm>> -> memref<96x256xf32, #tpu.memory_space<hbm>>
      %dma_wait3A_53 = arith.constant 0 : i32
      %dma_wait3A_54 = tpu.memref_slice %arg4[%add3A_46, %dma_wait3A_53] : memref<9216x256xf32, #tpu.memory_space<hbm>> -> memref<96x256xf32, #tpu.memory_space<hbm>>
      tpu.wait_dma2 semaphore(%run_scoped3A : memref<!tpu.dma_semaphore, #tpu.memory_space<semaphore_mem>>) src(%arg11 : memref<96x256xf32, #tpu.memory_space<vmem>>) dst(%dma_wait3A_54 : memref<96x256xf32, #tpu.memory_space<hbm>>)
      tpu.yield
    }) : () -> ()
    return
  }
}

module attributes {stable_mosaic.version = 14 : i64} {
  func.func @_argmin_body(%arg0: i32, %arg1: memref<1x256x576xf32, #tpu.memory_space<vmem>>, %arg2: memref<8192x256xbf16, #tpu.memory_space<vmem>>, %arg3: memref<1x1x576xi32, #tpu.memory_space<vmem>>) attributes {dimension_semantics = [#tpu.dimension_semantics<arbitrary>], iteration_bounds = array<i64: 16>, scalar_prefetch = 0 : i64, scratch_operands = 0 : i64, tpu.core_type = #tpu.core_type<tc>, window_params = [{transform_indices = @transform_0, window_bounds = array<i64: 1, 256, 576>}, {pipeline_mode = #tpu.pipeline_mode<synchronous>, transform_indices = @transform_1, window_bounds = array<i64: 8192, 256>}, {transform_indices = @transform_2, window_bounds = array<i64: 1, 1, 576>}]} {
    %get3A = arith.constant 0 : index
    %get3A_0 = arith.constant 0 : index
    %get3A_1 = arith.constant 0 : index
    %get3A_2 = vector.load %arg1[%get3A, %get3A_0, %get3A_1] : memref<1x256x576xf32, #tpu.memory_space<vmem>>, vector<1x256x576xf32>
    %get3A_3 = vector.shape_cast %get3A_2 : vector<1x256x576xf32> to vector<256x576xf32>
    %mul3A = arith.mulf %get3A_3, %get3A_3 : vector<256x576xf32>
    %reduce_sum3A = arith.constant dense<0.000000e+00> : vector<576xf32>
    %reduce_sum3A_4 = vector.multi_reduction <add>, %mul3A, %reduce_sum3A [0] : vector<256x576xf32> to vector<576xf32>
    %broadcast_in_dim3A = vector.shape_cast %reduce_sum3A_4 : vector<576xf32> to vector<1x576xf32>
    %sqrt3A = math.sqrt %broadcast_in_dim3A : vector<1x576xf32>
    %max3A = arith.constant 9.99999996E-13 : f32
    %max3A_5 = vector.broadcast %max3A : f32 to vector<1x576xf32>
    %max3A_6 = arith.maximumf %sqrt3A, %max3A_5 : vector<1x576xf32>
    %div3A = vector.broadcast %max3A_6 : vector<1x576xf32> to vector<256x576xf32>
    %div3A_7 = arith.divf %get3A_3, %div3A : vector<256x576xf32>
    %bitcast_convert_type3A = tpu.bitcast %div3A_7 : vector<256x576xf32> -> vector<256x576xi32>
    %shift_right_logical3A = arith.constant 16 : i32
    %shift_right_logical3A_8 = vector.broadcast %shift_right_logical3A : i32 to vector<256x576xi32>
    %shift_right_logical3A_9 = arith.shrui %bitcast_convert_type3A, %shift_right_logical3A_8 : vector<256x576xi32>
    %and3A = arith.constant 1 : i32
    %and3A_10 = vector.broadcast %and3A : i32 to vector<256x576xi32>
    %and3A_11 = arith.andi %shift_right_logical3A_9, %and3A_10 : vector<256x576xi32>
    %add3A = arith.constant 32767 : i32
    %add3A_12 = vector.broadcast %add3A : i32 to vector<256x576xi32>
    %add3A_13 = arith.addi %bitcast_convert_type3A, %add3A_12 : vector<256x576xi32>
    %add3A_14 = arith.addi %add3A_13, %and3A_11 : vector<256x576xi32>
    %and3A_15 = arith.constant -65536 : i32
    %and3A_16 = vector.broadcast %and3A_15 : i32 to vector<256x576xi32>
    %and3A_17 = arith.andi %add3A_14, %and3A_16 : vector<256x576xi32>
    %bitcast_convert_type3A_18 = tpu.bitcast %and3A_17 : vector<256x576xi32> -> vector<256x576xf32>
    %convert_element_type3A = arith.truncf %bitcast_convert_type3A_18 : vector<256x576xf32> to vector<256x576xbf16>
    %broadcast_in_dim3A_19 = arith.constant 0x7F800000 : f32
    %broadcast_in_dim3A_20 = vector.broadcast %broadcast_in_dim3A_19 : f32 to vector<1x576xf32>
    %broadcast_in_dim3A_21 = arith.constant 0 : i32
    %broadcast_in_dim3A_22 = vector.broadcast %broadcast_in_dim3A_21 : i32 to vector<1x576xi32>
    %get3A_23 = arith.constant 0 : index
    %get3A_24 = arith.constant 0 : index
    %get3A_25 = vector.load %arg2[%get3A_23, %get3A_24] : memref<8192x256xbf16, #tpu.memory_space<vmem>>, vector<2736x256xbf16>
    %dot_general3A = arith.constant dense<0.000000e+00> : vector<2736x576xf32>
    %dot_general3A_26 = tpu.matmul %get3A_25, %convert_element_type3A, %dot_general3A {dimension_numbers = #tpu.dot_dimension_numbers<[1], [0], [0], [1], [0, 0, 1, 1], [], []>, transpose_lhs_hint = false} : vector<2736x256xbf16>, vector<256x576xbf16>, vector<2736x576xf32> -> vector<2736x576xf32>
    %sub3A = arith.constant 1.000000e+00 : f32
    %sub3A_27 = vector.broadcast %sub3A : f32 to vector<2736x576xf32>
    %sub3A_28 = arith.subf %sub3A_27, %dot_general3A_26 : vector<2736x576xf32>
    %reduce_min3A = arith.constant dense<0x7F800000> : vector<576xf32>
    %reduce_min3A_29 = vector.multi_reduction <minimumf>, %sub3A_28, %reduce_min3A [0] : vector<2736x576xf32> to vector<576xf32>
    %broadcast_in_dim3A_30 = vector.shape_cast %reduce_min3A_29 : vector<576xf32> to vector<1x576xf32>
    %iota3A = tpu.iota {dimensions = array<i32: 0>} : vector<2736x576xi32>
    %add3A_31 = arith.constant 0 : i32
    %add3A_32 = vector.broadcast %add3A_31 : i32 to vector<2736x576xi32>
    %add3A_33 = arith.addi %iota3A, %add3A_32 : vector<2736x576xi32>
    %eq3A = vector.broadcast %broadcast_in_dim3A_30 : vector<1x576xf32> to vector<2736x576xf32>
    %eq3A_34 = arith.cmpf oeq, %sub3A_28, %eq3A : vector<2736x576xf32>
    %jit3A = arith.constant 1073741824 : i32
    %broadcast_in_dim3A_35 = vector.broadcast %jit3A : i32 to vector<2736x576xi32>
    %select_n3A = arith.select %eq3A_34, %add3A_33, %broadcast_in_dim3A_35 : vector<2736x576xi1>, vector<2736x576xi32>
    %reduce_min3A_36 = arith.constant dense<2147483647> : vector<576xi32>
    %reduce_min3A_37 = vector.multi_reduction <minsi>, %select_n3A, %reduce_min3A_36 [0] : vector<2736x576xi32> to vector<576xi32>
    %broadcast_in_dim3A_38 = vector.shape_cast %reduce_min3A_37 : vector<576xi32> to vector<1x576xi32>
    %lt3A = arith.cmpf olt, %broadcast_in_dim3A_30, %broadcast_in_dim3A_20 : vector<1x576xf32>
    %select_n3A_39 = arith.select %lt3A, %broadcast_in_dim3A_30, %broadcast_in_dim3A_20 : vector<1x576xi1>, vector<1x576xf32>
    %bitcast_convert_type3A_40 = tpu.bitcast %select_n3A_39 : vector<1x576xf32> -> vector<1x576xi32>
    %shift_right_logical3A_41 = arith.constant 16 : i32
    %shift_right_logical3A_42 = vector.broadcast %shift_right_logical3A_41 : i32 to vector<1x576xi32>
    %shift_right_logical3A_43 = arith.shrui %bitcast_convert_type3A_40, %shift_right_logical3A_42 : vector<1x576xi32>
    %and3A_44 = arith.constant 1 : i32
    %and3A_45 = vector.broadcast %and3A_44 : i32 to vector<1x576xi32>
    %and3A_46 = arith.andi %shift_right_logical3A_43, %and3A_45 : vector<1x576xi32>
    %add3A_47 = arith.constant 32767 : i32
    %add3A_48 = vector.broadcast %add3A_47 : i32 to vector<1x576xi32>
    %add3A_49 = arith.addi %bitcast_convert_type3A_40, %add3A_48 : vector<1x576xi32>
    %add3A_50 = arith.addi %add3A_49, %and3A_46 : vector<1x576xi32>
    %and3A_51 = arith.constant -65536 : i32
    %and3A_52 = vector.broadcast %and3A_51 : i32 to vector<1x576xi32>
    %and3A_53 = arith.andi %add3A_50, %and3A_52 : vector<1x576xi32>
    %bitcast_convert_type3A_54 = tpu.bitcast %and3A_53 : vector<1x576xi32> -> vector<1x576xf32>
    %select_n3A_55 = arith.select %lt3A, %broadcast_in_dim3A_38, %broadcast_in_dim3A_22 : vector<1x576xi1>, vector<1x576xi32>
    %get3A_56 = arith.constant 2736 : index
    %get3A_57 = arith.constant 0 : index
    %get3A_58 = vector.load %arg2[%get3A_56, %get3A_57] : memref<8192x256xbf16, #tpu.memory_space<vmem>>, vector<2736x256xbf16>
    %dot_general3A_59 = arith.constant dense<0.000000e+00> : vector<2736x576xf32>
    %dot_general3A_60 = tpu.matmul %get3A_58, %convert_element_type3A, %dot_general3A_59 {dimension_numbers = #tpu.dot_dimension_numbers<[1], [0], [0], [1], [0, 0, 1, 1], [], []>, transpose_lhs_hint = false} : vector<2736x256xbf16>, vector<256x576xbf16>, vector<2736x576xf32> -> vector<2736x576xf32>
    %sub3A_61 = arith.constant 1.000000e+00 : f32
    %sub3A_62 = vector.broadcast %sub3A_61 : f32 to vector<2736x576xf32>
    %sub3A_63 = arith.subf %sub3A_62, %dot_general3A_60 : vector<2736x576xf32>
    %reduce_min3A_64 = arith.constant dense<0x7F800000> : vector<576xf32>
    %reduce_min3A_65 = vector.multi_reduction <minimumf>, %sub3A_63, %reduce_min3A_64 [0] : vector<2736x576xf32> to vector<576xf32>
    %broadcast_in_dim3A_66 = vector.shape_cast %reduce_min3A_65 : vector<576xf32> to vector<1x576xf32>
    %iota3A_67 = tpu.iota {dimensions = array<i32: 0>} : vector<2736x576xi32>
    %add3A_68 = arith.constant 2736 : i32
    %add3A_69 = vector.broadcast %add3A_68 : i32 to vector<2736x576xi32>
    %add3A_70 = arith.addi %iota3A_67, %add3A_69 : vector<2736x576xi32>
    %eq3A_71 = vector.broadcast %broadcast_in_dim3A_66 : vector<1x576xf32> to vector<2736x576xf32>
    %eq3A_72 = arith.cmpf oeq, %sub3A_63, %eq3A_71 : vector<2736x576xf32>
    %jit3A_73 = arith.constant 1073741824 : i32
    %broadcast_in_dim3A_74 = vector.broadcast %jit3A_73 : i32 to vector<2736x576xi32>
    %select_n3A_75 = arith.select %eq3A_72, %add3A_70, %broadcast_in_dim3A_74 : vector<2736x576xi1>, vector<2736x576xi32>
    %reduce_min3A_76 = arith.constant dense<2147483647> : vector<576xi32>
    %reduce_min3A_77 = vector.multi_reduction <minsi>, %select_n3A_75, %reduce_min3A_76 [0] : vector<2736x576xi32> to vector<576xi32>
    %broadcast_in_dim3A_78 = vector.shape_cast %reduce_min3A_77 : vector<576xi32> to vector<1x576xi32>
    %lt3A_79 = arith.cmpf olt, %broadcast_in_dim3A_66, %bitcast_convert_type3A_54 : vector<1x576xf32>
    %select_n3A_80 = arith.select %lt3A_79, %broadcast_in_dim3A_66, %bitcast_convert_type3A_54 : vector<1x576xi1>, vector<1x576xf32>
    %bitcast_convert_type3A_81 = tpu.bitcast %select_n3A_80 : vector<1x576xf32> -> vector<1x576xi32>
    %shift_right_logical3A_82 = arith.constant 16 : i32
    %shift_right_logical3A_83 = vector.broadcast %shift_right_logical3A_82 : i32 to vector<1x576xi32>
    %shift_right_logical3A_84 = arith.shrui %bitcast_convert_type3A_81, %shift_right_logical3A_83 : vector<1x576xi32>
    %and3A_85 = arith.constant 1 : i32
    %and3A_86 = vector.broadcast %and3A_85 : i32 to vector<1x576xi32>
    %and3A_87 = arith.andi %shift_right_logical3A_84, %and3A_86 : vector<1x576xi32>
    %add3A_88 = arith.constant 32767 : i32
    %add3A_89 = vector.broadcast %add3A_88 : i32 to vector<1x576xi32>
    %add3A_90 = arith.addi %bitcast_convert_type3A_81, %add3A_89 : vector<1x576xi32>
    %add3A_91 = arith.addi %add3A_90, %and3A_87 : vector<1x576xi32>
    %and3A_92 = arith.constant -65536 : i32
    %and3A_93 = vector.broadcast %and3A_92 : i32 to vector<1x576xi32>
    %and3A_94 = arith.andi %add3A_91, %and3A_93 : vector<1x576xi32>
    %bitcast_convert_type3A_95 = tpu.bitcast %and3A_94 : vector<1x576xi32> -> vector<1x576xf32>
    %select_n3A_96 = arith.select %lt3A_79, %broadcast_in_dim3A_78, %select_n3A_55 : vector<1x576xi1>, vector<1x576xi32>
    %get3A_97 = arith.constant 5472 : index
    %get3A_98 = arith.constant 0 : index
    %get3A_99 = vector.load %arg2[%get3A_97, %get3A_98] : memref<8192x256xbf16, #tpu.memory_space<vmem>>, vector<2720x256xbf16>
    %dot_general3A_100 = arith.constant dense<0.000000e+00> : vector<2720x576xf32>
    %dot_general3A_101 = tpu.matmul %get3A_99, %convert_element_type3A, %dot_general3A_100 {dimension_numbers = #tpu.dot_dimension_numbers<[1], [0], [0], [1], [0, 0, 1, 1], [], []>, transpose_lhs_hint = false} : vector<2720x256xbf16>, vector<256x576xbf16>, vector<2720x576xf32> -> vector<2720x576xf32>
    %sub3A_102 = arith.constant 1.000000e+00 : f32
    %sub3A_103 = vector.broadcast %sub3A_102 : f32 to vector<2720x576xf32>
    %sub3A_104 = arith.subf %sub3A_103, %dot_general3A_101 : vector<2720x576xf32>
    %reduce_min3A_105 = arith.constant dense<0x7F800000> : vector<576xf32>
    %reduce_min3A_106 = vector.multi_reduction <minimumf>, %sub3A_104, %reduce_min3A_105 [0] : vector<2720x576xf32> to vector<576xf32>
    %broadcast_in_dim3A_107 = vector.shape_cast %reduce_min3A_106 : vector<576xf32> to vector<1x576xf32>
    %iota3A_108 = tpu.iota {dimensions = array<i32: 0>} : vector<2720x576xi32>
    %add3A_109 = arith.constant 5472 : i32
    %add3A_110 = vector.broadcast %add3A_109 : i32 to vector<2720x576xi32>
    %add3A_111 = arith.addi %iota3A_108, %add3A_110 : vector<2720x576xi32>
    %eq3A_112 = vector.broadcast %broadcast_in_dim3A_107 : vector<1x576xf32> to vector<2720x576xf32>
    %eq3A_113 = arith.cmpf oeq, %sub3A_104, %eq3A_112 : vector<2720x576xf32>
    %jit3A_114 = arith.constant 1073741824 : i32
    %broadcast_in_dim3A_115 = vector.broadcast %jit3A_114 : i32 to vector<2720x576xi32>
    %select_n3A_116 = arith.select %eq3A_113, %add3A_111, %broadcast_in_dim3A_115 : vector<2720x576xi1>, vector<2720x576xi32>
    %reduce_min3A_117 = arith.constant dense<2147483647> : vector<576xi32>
    %reduce_min3A_118 = vector.multi_reduction <minsi>, %select_n3A_116, %reduce_min3A_117 [0] : vector<2720x576xi32> to vector<576xi32>
    %broadcast_in_dim3A_119 = vector.shape_cast %reduce_min3A_118 : vector<576xi32> to vector<1x576xi32>
    %lt3A_120 = arith.cmpf olt, %broadcast_in_dim3A_107, %bitcast_convert_type3A_95 : vector<1x576xf32>
    %select_n3A_121 = arith.select %lt3A_120, %broadcast_in_dim3A_119, %select_n3A_96 : vector<1x576xi1>, vector<1x576xi32>
    %swap3A = arith.constant 0 : index
    %swap3A_122 = arith.constant 0 : index
    %swap3A_123 = arith.constant 0 : index
    %swap3A_124 = vector.load %arg3[%swap3A, %swap3A_122, %swap3A_123] : memref<1x1x576xi32, #tpu.memory_space<vmem>>, vector<1x1x576xi32>
    %swap3A_125 = vector.shape_cast %swap3A_124 : vector<1x1x576xi32> to vector<1x576xi32>
    %swap3A_126 = vector.shape_cast %select_n3A_121 : vector<1x576xi32> to vector<1x1x576xi32>
    tpu.vector_store %arg3[%swap3A, %swap3A_122, %swap3A_123], %swap3A_126 {strides = array<i32>} : memref<1x1x576xi32, #tpu.memory_space<vmem>>, vector<1x1x576xi32>,
    return
  }
  func.func @transform_0(%arg0: i32) -> (i32, i32, i32) {
    %c0_i32 = arith.constant 0 : i32
    %c0_i32_0 = arith.constant 0 : i32
    %c0_i32_1 = arith.constant 0 : i32
    return %arg0, %c0_i32, %c0_i32_0 : i32, i32, i32
  }
  func.func @transform_1(%arg0: i32) -> (i32, i32) {
    %c0_i32 = arith.constant 0 : i32
    %c0_i32_0 = arith.constant 0 : i32
    %c0_i32_1 = arith.constant 0 : i32
    return %c0_i32, %c0_i32_0 : i32, i32
  }
  func.func @transform_2(%arg0: i32) -> (i32, i32, i32) {
    %c0_i32 = arith.constant 0 : i32
    %c0_i32_0 = arith.constant 0 : i32
    %c0_i32_1 = arith.constant 0 : i32
    return %arg0, %c0_i32, %c0_i32_0 : i32, i32, i32
  }
}

module attributes {stable_mosaic.version = 14 : i64} {
  func.func @_wnorm_body(%arg0: memref<8192x256xf32, #tpu.memory_space<vmem>>, %arg1: memref<8192x256xbf16, #tpu.memory_space<vmem>>) attributes {dimension_semantics = [], scalar_prefetch = 0 : i64, scratch_operands = 0 : i64, tpu.core_type = #tpu.core_type<tc>} {
    %get3A = arith.constant 0 : index
    %get3A_0 = arith.constant 0 : index
    %get3A_1 = vector.load %arg0[%get3A, %get3A_0] : memref<8192x256xf32, #tpu.memory_space<vmem>>, vector<8192x256xf32>
    %mul3A = arith.mulf %get3A_1, %get3A_1 : vector<8192x256xf32>
    %reduce_sum3A = arith.constant dense<0.000000e+00> : vector<8192xf32>
    %reduce_sum3A_2 = vector.multi_reduction <add>, %mul3A, %reduce_sum3A [1] : vector<8192x256xf32> to vector<8192xf32>
    %broadcast_in_dim3A = vector.shape_cast %reduce_sum3A_2 : vector<8192xf32> to vector<8192x1xf32>
    %sqrt3A = math.sqrt %broadcast_in_dim3A : vector<8192x1xf32>
    %max3A = arith.constant 9.99999996E-13 : f32
    %max3A_3 = vector.broadcast %max3A : f32 to vector<8192x1xf32>
    %max3A_4 = arith.maximumf %sqrt3A, %max3A_3 : vector<8192x1xf32>
    %div3A = vector.broadcast %max3A_4 : vector<8192x1xf32> to vector<8192x256xf32>
    %div3A_5 = arith.divf %get3A_1, %div3A : vector<8192x256xf32>
    %bitcast_convert_type3A = tpu.bitcast %div3A_5 : vector<8192x256xf32> -> vector<8192x256xi32>
    %shift_right_logical3A = arith.constant 16 : i32
    %shift_right_logical3A_6 = vector.broadcast %shift_right_logical3A : i32 to vector<8192x256xi32>
    %shift_right_logical3A_7 = arith.shrui %bitcast_convert_type3A, %shift_right_logical3A_6 : vector<8192x256xi32>
    %and3A = arith.constant 1 : i32
    %and3A_8 = vector.broadcast %and3A : i32 to vector<8192x256xi32>
    %and3A_9 = arith.andi %shift_right_logical3A_7, %and3A_8 : vector<8192x256xi32>
    %add3A = arith.constant 32767 : i32
    %add3A_10 = vector.broadcast %add3A : i32 to vector<8192x256xi32>
    %add3A_11 = arith.addi %bitcast_convert_type3A, %add3A_10 : vector<8192x256xi32>
    %add3A_12 = arith.addi %add3A_11, %and3A_9 : vector<8192x256xi32>
    %and3A_13 = arith.constant -65536 : i32
    %and3A_14 = vector.broadcast %and3A_13 : i32 to vector<8192x256xi32>
    %and3A_15 = arith.andi %add3A_12, %and3A_14 : vector<8192x256xi32>
    %bitcast_convert_type3A_16 = tpu.bitcast %and3A_15 : vector<8192x256xi32> -> vector<8192x256xf32>
    %convert_element_type3A = arith.truncf %bitcast_convert_type3A_16 : vector<8192x256xf32> to vector<8192x256xbf16>
    %swap3A = arith.constant 0 : index
    %swap3A_17 = arith.constant 0 : index
    %swap3A_18 = vector.load %arg1[%swap3A, %swap3A_17] : memref<8192x256xbf16, #tpu.memory_space<vmem>>, vector<8192x256xbf16>
    tpu.vector_store %arg1[%swap3A, %swap3A_17], %convert_element_type3A {strides = array<i32>} : memref<8192x256xbf16, #tpu.memory_space<vmem>>, vector<8192x256xbf16>,
    return
  }
}

module attributes {stable_mosaic.version = 14 : i64} {
  func.func @_fin_body(%arg0: i32, %arg1: memref<1x576x256xf32, #tpu.memory_space<vmem>>, %arg2: memref<1x256x576xf32, #tpu.memory_space<vmem>>, %arg3: memref<2x8192xf32, #tpu.memory_space<vmem>>, %arg4: memref<1x256x576xf32, #tpu.memory_space<vmem>>, %arg5: memref<1x1xf32, #tpu.memory_space<vmem>>, %arg6: memref<1x1xf32, #tpu.memory_space<vmem>>, %arg7: memref<1x1xf32, #tpu.memory_space<smem>>) attributes {dimension_semantics = [#tpu.dimension_semantics<arbitrary>], iteration_bounds = array<i64: 16>, scalar_prefetch = 0 : i64, scratch_operands = 1 : i64, tpu.core_type = #tpu.core_type<tc>, window_params = [{transform_indices = @transform_0, window_bounds = array<i64: 1, 576, 256>}, {transform_indices = @transform_1, window_bounds = array<i64: 1, 256, 576>}, {pipeline_mode = #tpu.pipeline_mode<synchronous>, transform_indices = @transform_2, window_bounds = array<i64: 2, 8192>}, {transform_indices = @transform_3, window_bounds = array<i64: 1, 256, 576>}, {pipeline_mode = #tpu.pipeline_mode<synchronous>, transform_indices = @transform_4, window_bounds = array<i64: 1, 1>}, {pipeline_mode = #tpu.pipeline_mode<synchronous>, transform_indices = @transform_5, window_bounds = array<i64: 1, 1>}]} {
    %get3A = arith.constant 0 : index
    %get3A_0 = arith.constant 0 : index
    %get3A_1 = arith.constant 0 : index
    %get3A_2 = vector.load %arg1[%get3A, %get3A_0, %get3A_1] : memref<1x576x256xf32, #tpu.memory_space<vmem>>, vector<1x576x256xf32>
    %get3A_3 = vector.shape_cast %get3A_2 : vector<1x576x256xf32> to vector<576x256xf32>
    %transpose3A = tpu.transpose %get3A_3, [1, 0] : vector<576x256xf32> -> vector<256x576xf32>
    %get3A_4 = arith.constant 0 : index
    %get3A_5 = arith.constant 0 : index
    %get3A_6 = arith.constant 0 : index
    %get3A_7 = vector.load %arg2[%get3A_4, %get3A_5, %get3A_6] : memref<1x256x576xf32, #tpu.memory_space<vmem>>, vector<1x256x576xf32>
    %get3A_8 = vector.shape_cast %get3A_7 : vector<1x256x576xf32> to vector<256x576xf32>
    %sub3A = arith.subf %transpose3A, %get3A_8 : vector<256x576xf32>
    %add3A = arith.addf %get3A_8, %sub3A : vector<256x576xf32>
    %swap3A = arith.constant 0 : index
    %swap3A_9 = arith.constant 0 : index
    %swap3A_10 = arith.constant 0 : index
    %swap3A_11 = vector.load %arg4[%swap3A, %swap3A_9, %swap3A_10] : memref<1x256x576xf32, #tpu.memory_space<vmem>>, vector<1x256x576xf32>
    %swap3A_12 = vector.shape_cast %swap3A_11 : vector<1x256x576xf32> to vector<256x576xf32>
    %swap3A_13 = vector.shape_cast %add3A : vector<256x576xf32> to vector<1x256x576xf32>
    tpu.vector_store %arg4[%swap3A, %swap3A_9, %swap3A_10], %swap3A_13 {strides = array<i32>} : memref<1x256x576xf32, #tpu.memory_space<vmem>>, vector<1x256x576xf32>,
    %mul3A = arith.mulf %sub3A, %sub3A : vector<256x576xf32>
    %reduce_sum3A = vector.shape_cast %mul3A : vector<256x576xf32> to vector<1x256x576xf32>
    %reduce_sum3A_14 = arith.constant dense<0.000000e+00> : vector<1xf32>
    %reduce_sum3A_15 = vector.multi_reduction <add>, %reduce_sum3A, %reduce_sum3A_14 [1, 2] : vector<1x256x576xf32> to vector<1xf32>
    %reduce_sum3A_16 = vector.shape_cast %reduce_sum3A_15 : vector<1xf32> to vector<1x1x1xf32>
    %reduce_sum3A_17 = vector.extract %reduce_sum3A_16[0, 0, 0] : f32 from vector<1x1x1xf32>
    %eq3A = arith.constant 0 : i32
    %eq3A_18 = arith.cmpi eq, %arg0, %eq3A : i32
    %convert_element_type3A = arith.extui %eq3A_18 : i1 to i32
    %cond3A = arith.constant 0 : i32
    %cond3A_19 = arith.cmpi ne, %convert_element_type3A, %cond3A : i32
    scf.if %cond3A_19 {
      %swap3A_29 = arith.constant 0 : index
      %swap3A_30 = arith.constant 0 : index
      %swap3A_31 = memref.load %arg7[%swap3A_29, %swap3A_30] : memref<1x1xf32, #tpu.memory_space<smem>>
      memref.store %reduce_sum3A_17, %arg7[%swap3A_29, %swap3A_30] : memref<1x1xf32, #tpu.memory_space<smem>>
    } else {
    }
    %gt3A = arith.constant 0 : i32
    %gt3A_20 = arith.cmpi sgt, %arg0, %gt3A : i32
    %convert_element_type3A_21 = arith.extui %gt3A_20 : i1 to i32
    %cond3A_22 = arith.constant 0 : i32
    %cond3A_23 = arith.cmpi ne, %convert_element_type3A_21, %cond3A_22 : i32
    scf.if %cond3A_23 {
      %get3A_29 = arith.constant 0 : index
      %get3A_30 = arith.constant 0 : index
      %get3A_31 = memref.load %arg7[%get3A_29, %get3A_30] : memref<1x1xf32, #tpu.memory_space<smem>>
      %add3A_32 = arith.addf %get3A_31, %reduce_sum3A_17 : f32
      %swap3A_33 = arith.constant 0 : index
      %swap3A_34 = arith.constant 0 : index
      %swap3A_35 = memref.load %arg7[%swap3A_33, %swap3A_34] : memref<1x1xf32, #tpu.memory_space<smem>>
      memref.store %add3A_32, %arg7[%swap3A_33, %swap3A_34] : memref<1x1xf32, #tpu.memory_space<smem>>
    } else {
    }
    %eq3A_24 = arith.constant 15 : i32
    %eq3A_25 = arith.cmpi eq, %arg0, %eq3A_24 : i32
    %convert_element_type3A_26 = arith.extui %eq3A_25 : i1 to i32
    %cond3A_27 = arith.constant 0 : i32
    %cond3A_28 = arith.cmpi ne, %convert_element_type3A_26, %cond3A_27 : i32
    scf.if %cond3A_28 {
      %get3A_29 = arith.constant 0 : index
      %get3A_30 = arith.constant 0 : index
      %get3A_31 = memref.load %arg7[%get3A_29, %get3A_30] : memref<1x1xf32, #tpu.memory_space<smem>>
      %div3A = arith.constant 0x4A100000 : f32
      %div3A_32 = arith.divf %get3A_31, %div3A : f32
      %mul3A_33 = arith.constant 2.500000e-01 : f32
      %mul3A_34 = arith.mulf %mul3A_33, %div3A_32 : f32
      %add3A_35 = arith.addf %div3A_32, %mul3A_34 : f32
      %reshape3A = vector.broadcast %add3A_35 : f32 to vector<1x1xf32>
      %swap3A_36 = arith.constant 0 : index
      %swap3A_37 = arith.constant 0 : index
      %swap3A_38 = vector.load %arg5[%swap3A_36, %swap3A_37] : memref<1x1xf32, #tpu.memory_space<vmem>>, vector<1x1xf32>
      tpu.vector_store %arg5[%swap3A_36, %swap3A_37], %reshape3A {strides = array<i32>} : memref<1x1xf32, #tpu.memory_space<vmem>>, vector<1x1xf32>,
      %get3A_39 = arith.constant 0 : index
      %get3A_40 = arith.constant 0 : index
      %get3A_41 = vector.load %arg3[%get3A_39, %get3A_40] : memref<2x8192xf32, #tpu.memory_space<vmem>>, vector<2x8192xf32>
      %reduce_sum3A_42 = arith.constant dense<0.000000e+00> : vector<8192xf32>
      %reduce_sum3A_43 = vector.multi_reduction <add>, %get3A_41, %reduce_sum3A_42 [0] : vector<2x8192xf32> to vector<8192xf32>
      %div3A_44 = arith.constant 9.216000e+03 : f32
      %div3A_45 = vector.broadcast %div3A_44 : f32 to vector<8192xf32>
      %div3A_46 = arith.divf %reduce_sum3A_43, %div3A_45 : vector<8192xf32>
      %add3A_47 = arith.constant 1.000000e-10 : f32
      %add3A_48 = vector.broadcast %add3A_47 : f32 to vector<8192xf32>
      %add3A_49 = arith.addf %div3A_46, %add3A_48 : vector<8192xf32>
      %log3A = math.log %add3A_49 : vector<8192xf32>
      %mul3A_50 = arith.mulf %div3A_46, %log3A : vector<8192xf32>
      %reduce_sum3A_51 = vector.shape_cast %mul3A_50 : vector<8192xf32> to vector<1x8192xf32>
      %reduce_sum3A_52 = arith.constant dense<0.000000e+00> : vector<1xf32>
      %reduce_sum3A_53 = vector.multi_reduction <add>, %reduce_sum3A_51, %reduce_sum3A_52 [1] : vector<1x8192xf32> to vector<1xf32>
      %reduce_sum3A_54 = vector.shape_cast %reduce_sum3A_53 : vector<1xf32> to vector<1x1xf32>
      %reduce_sum3A_55 = vector.extract %reduce_sum3A_54[0, 0] : f32 from vector<1x1xf32>
      %neg3A = arith.constant 0.000000e+00 : f32
      %neg3A_56 = arith.subf %neg3A, %reduce_sum3A_55 : f32
      %exp3A = math.exp %neg3A_56 : f32
      %reshape3A_57 = vector.broadcast %exp3A : f32 to vector<1x1xf32>
      %swap3A_58 = arith.constant 0 : index
      %swap3A_59 = arith.constant 0 : index
      %swap3A_60 = vector.load %arg6[%swap3A_58, %swap3A_59] : memref<1x1xf32, #tpu.memory_space<vmem>>, vector<1x1xf32>
      tpu.vector_store %arg6[%swap3A_58, %swap3A_59], %reshape3A_57 {strides = array<i32>} : memref<1x1xf32, #tpu.memory_space<vmem>>, vector<1x1xf32>,
    } else {
    }
    return
  }
  func.func @transform_0(%arg0: i32) -> (i32, i32, i32) {
    %c0_i32 = arith.constant 0 : i32
    %c0_i32_0 = arith.constant 0 : i32
    %c0_i32_1 = arith.constant 0 : i32
    return %arg0, %c0_i32, %c0_i32_0 : i32, i32, i32
  }
  func.func @transform_1(%arg0: i32) -> (i32, i32, i32) {
    %c0_i32 = arith.constant 0 : i32
    %c0_i32_0 = arith.constant 0 : i32
    %c0_i32_1 = arith.constant 0 : i32
    return %arg0, %c0_i32, %c0_i32_0 : i32, i32, i32
  }
  func.func @transform_2(%arg0: i32) -> (i32, i32) {
    %c0_i32 = arith.constant 0 : i32
    %c0_i32_0 = arith.constant 0 : i32
    %c0_i32_1 = arith.constant 0 : i32
    return %c0_i32, %c0_i32_0 : i32, i32
  }
  func.func @transform_3(%arg0: i32) -> (i32, i32, i32) {
    %c0_i32 = arith.constant 0 : i32
    %c0_i32_0 = arith.constant 0 : i32
    %c0_i32_1 = arith.constant 0 : i32
    return %arg0, %c0_i32, %c0_i32_0 : i32, i32, i32
  }
  func.func @transform_4(%arg0: i32) -> (i32, i32) {
    %c0_i32 = arith.constant 0 : i32
    %c0_i32_0 = arith.constant 0 : i32
    %c0_i32_1 = arith.constant 0 : i32
    return %c0_i32, %c0_i32_0 : i32, i32
  }
  func.func @transform_5(%arg0: i32) -> (i32, i32) {
    %c0_i32 = arith.constant 0 : i32
    %c0_i32_0 = arith.constant 0 : i32
    %c0_i32_1 = arith.constant 0 : i32
    return %c0_i32, %c0_i32_0 : i32, i32
  }
}

</mosaic_0001>

<sc_bundles>
// kernel: kernel.6.cloned.1.call-start
scs
__scs_entry_jumppad:
0x0: {  	(pc) =	sbr.rel $0x88, $3  }
0x1: {  	(tag) =	ssettag $0x0;
	lr =	simm.s32 $0x1  }
0x2: {  	[smem:$0x3F9F] =	sst lr;
	_ =	strace $0xD0000000  }
0x3: {  	_ = 	snop  }
0x4: {  	_ = 	snop  }
0x5: {  	_ = 	snop  }
0x6: {  	_ = 	snop  }
0x7: {  	_ = 	snop  }
__scs_overlays_trampoline_lowered:
0x8: {  	[smem:$0x3FAE] =	sst s0  }
0x9: {  	[smem:$0x3FAF] =	sst s1  }
0xa: {  	[smem:$0x3FB0] =	sst s2  }
0xb: {  	[smem:$0x3FB1] =	sst s3  }
0xc: {  	[smem:$0x3FB2] =	sst s4  }
0xd: {  	[smem:$0x3FB3] =	sst s5  }
0xe: {  	[smem:$0x3FB4] =	sst s6  }
0xf: {  	[smem:$0x3FB5] =	sst s7  }
0x10: {  	[smem:$0x3FB6] =	sst s8  }
0x11: {  	[smem:$0x3FB7] =	sst s9;
	s0 =	simm.s32 @!p0 $0x0  }
0x12: {  	s1 =	sld [smem:$0x3F9D];
	s0 =	simm.s32 @p0 $0x1  }
0x13: {  	[smem:$0x3FB8] =	sst s0;
	s0 =	simm.s32 @!p1 $0x0  }
0x14: {  	s2 =	sld [smem:$0x3F9C];
	s0 =	simm.s32 @p1 $0x1  }
0x15: {  	[smem:$0x3FB9] =	sst s0;
	s0 =	simm.s32 @!p2 $0x0  }
0x16: {  	s3 =	sld [smem:$0x3FDB];
	s0 =	simm.s32 @p2 $0x1  }
0x17: {  	s4 =	simm.s32 $0x1BF5;
	[smem:$0x3FBB] =	sst s0  }
0x18: {  	s0 =	sld [smem:$0x3F9E];
	_ =	swait.ge [sflag:s4], $0x0  }
0x19: {  	s7 =	sld [smem:$0x3F9F]  }
0x1a: {  	s8 =	sadd.s32 $0xFFFFE003, lr  }
0x1b: {  	s9 =	sadd.s32 $0xFFFFFEF7, lr;
	s5 =	simm.s32 $0xFFFFFFFF;
	p2 =	slt.u32 s8, $0xFFFFF086  }
0x1c: {  	p1 =	slt.u32 s9, $0xF7A;
	s5 =	simm.s32 @!p2 $0x0  }
0x1d: {  	s5 =	simm.s32 @p1 $0x1;
	p0 =	seq.s32 s7, s2  }
0x1e: {  	s7 =	smul.u32 @!p0 $0xF7A, s2;
	p2 =	seq.s32 @!p0 s5, $0x0  }
0x1f: {  	s9 =	smul.u32 $0xF7A, s1;
	s8 =	simm.s32 @!p0 $0x1BF5;
	p2 =	por !p2, p0  }
0x20: {  	[sflag:s8] =	ssyncset.s32 @!p0 $0xFFFFF086;
	s6 =	sadd.s32 @!p0 s3, s7;
	s7 =	simm.s32 @!p0 $0x108  }
0x21: {  	s3 =	sadd.s32 s3, s9;
	s6 =	sadd.s32 @!p0 $0x88, s6;
	s7 =	simm.s32 @p2 $0x1082  }
0x22: {  	[simem:s7], [sflag:s8] =	dma.local @!p0 [hbm:s6], $0xF7A  }
0x23: {  	s9 =	sor.u32 $0xD0000000, s2;
	s6 =	simm.s32 $0x108;
	_ =	swait.ge @!p0 [sflag:s8], $0x0  }
0x24: {  	s3 =	sadd.s32 $0x88, s3;
	s6 =	simm.s32 @!p1 $0x1082;
	[sflag:s4] =	ssyncset.s32 $0xFFFFF086  }
0x25: {  	[simem:s6], [sflag:s4] =	dma.local [hbm:s3], $0xF7A  }
0x26: {  	[smem:$0x3F9F] =	sst s1;
	(tag) =	ssettag s2;
	_ =	strace s9  }
0x27: {  	s1 =	sld [smem:$0x3FAF]  }
0x28: {  	s2 =	sld [smem:$0x3FB0]  }
0x29: {  	s4 =	sld [smem:$0x3FB2]  }
0x2a: {  	p0 =	seq.s32 s5, $0x0;
	s5 =	sld [smem:$0x3FB3]  }
0x2b: {  	s6 =	sld [smem:$0x3FB4]  }
0x2c: {  	s7 =	sld [smem:$0x3FB5]  }
0x2d: {  	s3 =	simm.s32 $0x108;
	s8 =	sld [smem:$0x3FB6]  }
0x2e: {  	s3 =	simm.s32 @!p0 $0x1082;
	s9 =	sld [smem:$0x3FB7]  }
0x2f: {  	lr =	sadd.s32 s0, s3;
	s0 =	sld [smem:$0x3FAE]  }
0x30: {  	s3 =	sld [smem:$0x3FB1]  }
0x31: {  	[smem:$0x3FBA] =	sst s10  }
0x32: {  	s10 =	sld [smem:$0x3FB8];
	_ =	sdelay $0x3  }
0x33: {  	p0 =	seq.s32 s10, $0x1;
	s10 =	sld [smem:$0x3FBA];
	_ =	sdelay $0x3  }
0x34: {  	[smem:$0x3FBA] =	sst s10  }
0x35: {  	s10 =	sld [smem:$0x3FB9];
	_ =	sdelay $0x3  }
0x36: {  	p1 =	seq.s32 s10, $0x1;
	s10 =	sld [smem:$0x3FBA];
	_ =	sdelay $0x3  }
0x37: {  	[smem:$0x3FBA] =	sst s10  }
0x38: {  	s10 =	sld [smem:$0x3FBB]  }
0x39: {  	_ = 	snop;
	(pc) =	sbr.ind lr, $3  }
0x3a: {  	_ = 	snop  }
0x3b: {  	_ = 	snop  }
0x3c: {  	p2 =	seq.s32 s10, $0x1;
	s10 =	sld [smem:$0x3FBA]  }
0x3d: {  	_ =	shalt  }
0x3e: {  	_ =	shalt  }
0x3f: {  	_ =	shalt  }
0x40: {  	_ =	shalt  }
0x41: {  	_ =	shalt  }
0x42: {  	_ =	shalt  }
0x43: {  	_ =	shalt  }
0x44: {  	_ =	shalt  }
0x45: {  	_ =	shalt  }
0x46: {  	_ =	shalt  }
0x47: {  	_ =	shalt  }
0x48: {  	_ =	shalt  }
0x49: {  	_ =	shalt  }
0x4a: {  	_ =	shalt  }
0x4b: {  	_ =	shalt  }
0x4c: {  	_ =	shalt  }
0x4d: {  	_ =	shalt  }
0x4e: {  	_ =	shalt  }
0x4f: {  	_ =	shalt  }
0x50: {  	_ =	shalt  }
0x51: {  	_ =	shalt  }
0x52: {  	_ =	shalt  }
0x53: {  	_ =	shalt  }
0x54: {  	_ =	shalt  }
0x55: {  	_ =	shalt  }
0x56: {  	_ =	shalt  }
0x57: {  	_ =	shalt  }
0x58: {  	_ =	shalt  }
0x59: {  	_ =	shalt  }
0x5a: {  	_ =	shalt  }
0x5b: {  	_ =	shalt  }
0x5c: {  	_ =	shalt  }
0x5d: {  	_ =	shalt  }
0x5e: {  	_ =	shalt  }
0x5f: {  	_ =	shalt  }
0x60: {  	_ =	shalt  }
0x61: {  	_ =	shalt  }
0x62: {  	_ =	shalt  }
0x63: {  	_ =	shalt  }
0x64: {  	_ =	shalt  }
0x65: {  	_ =	shalt  }
0x66: {  	_ =	shalt  }
0x67: {  	_ =	shalt  }
0x68: {  	_ =	shalt  }
0x69: {  	_ =	shalt  }
0x6a: {  	_ =	shalt  }
0x6b: {  	_ =	shalt  }
0x6c: {  	_ =	shalt  }
0x6d: {  	_ =	shalt  }
0x6e: {  	_ =	shalt  }
0x6f: {  	_ =	shalt  }
0x70: {  	_ =	shalt  }
0x71: {  	_ =	shalt  }
0x72: {  	_ =	shalt  }
0x73: {  	_ =	shalt  }
0x74: {  	_ =	shalt  }
0x75: {  	_ =	shalt  }
0x76: {  	_ =	shalt  }
0x77: {  	_ =	shalt  }
0x78: {  	_ =	shalt  }
0x79: {  	_ =	shalt  }
0x7a: {  	_ =	shalt  }
0x7b: {  	_ =	shalt  }
0x7c: {  	_ =	shalt  }
0x7d: {  	_ =	shalt  }
0x7e: {  	_ =	shalt  }
0x7f: {  	_ =	shalt  }
0x80: {  	_ =	shalt  }
0x81: {  	_ =	shalt  }
0x82: {  	_ =	shalt  }
0x83: {  	_ =	shalt  }
0x84: {  	_ =	shalt  }
0x85: {  	_ =	shalt  }
0x86: {  	_ =	shalt  }
0x87: {  	_ =	shalt  }
.Lfunc_end0:
.L_simem_size_0:
called_computation_lowered:
.L_overlay_start_0:
0x88: {  	s2 =	sld [smem:$0x3FD9]  }
0x89: {  	s3 =	sld [smem:$0x3FFE];
	_ =	sdelay $0x1  }
0x8a: {  	s1 =	srdreg.scid  }
0x8b: {  	s0 =	sand.u32 $0x1, s1  }
0x8c: {  	s14 =	sshll.u32 s0, $0xA;
	s2 =	sadd.s32 s3, s2  }
0x8d: {  	s2 =	sadd.s32 s2, s14  }
0x8e: {  	[smem:$0x3FC6] =	sst s2  }
0x8f: {  	_ = 	snop  }
0x90: {  	s2 =	sld [smem:$0x3FD0];
	_ =	sdelay $0x2  }
0x91: {  	s4 =	simm.s32 $0xA;
	s5 =	simm.s32 $0x10;
	s15 =	sld [smem:$0x3FC8]  }
0x92: {  	[smem:s5], [sflag:s4] =	dma.local [hbm:s2], $0x1  }
0x93: {  	_ =	swait.eq [sflag:s4], $0x1  }
0x94: {  	[sflag:s4] =	ssyncset.done $0x0  }
0x95: {  	[sflag:s4] =	ssyncadd.s32 $0xFFFFFFFF  }
0x96: {  	s16 =	sld [smem:$0x10];
	(tm) =	ssettm $0x1  }
0x97: {  	s17 =	sld [smem:$0x3FFB];
	_ =	sdelay $0x3  }
0x98: {  	_ =	strace s17  }
0x99: {  	s4 =	sld [smem:$0x3FFC];
	_ =	sdelay $0x3  }
0x9a: {  	_ =	strace s4  }
0x9b: {  	s4 =	sld [smem:$0x3FFD];
	_ =	sdelay $0x3  }
0x9c: {  	_ =	strace s4  }
0x9d: {  	_ =	strace $0x8FFFFFFF  }
0x9e: {  	s18 =	sld [smem:$0x3FDB];
	_ =	sdelay $0x1  }
0x9f: {  	s19 =	simm.s32 $_scs_section_size  }
0xa0: {  	s6 =	simm.s32 $_size__tile_overlayer_lowered;
	s7 =	simm.s32 $_tile_overlayer_lowered  }
0xa1: {  	s22 =	simm.s32 $0x1BFF;
	s21 =	sshll.u32 s7, $0x1;
	s4 =	sadd.s32 s19, s18  }
0xa2: {  	s8 =	simm.s32 $0x0;
	s20 =	sshll.u32 s6, $0x1;
	s6 =	sadd.s32 s21, s4  }
0xa3: {  	[timem:s8], [sflag:s22] =	dma.local [hbm:s6], s20  }
0xa4: {  	_ =	swait.ge [sflag:s22], s20  }
0xa5: {  	s5 =	ssub.s32 $0x0, s20;
	[sflag:s22] =	ssyncset.done $0x0  }
0xa6: {  	[sflag:s22] =	ssyncadd.s32 s5;
	_ =	sdelay $0x1  }
0xa7: {  	s23 =	simm.s32 $0x1B8B  }
0xa8: {  	_ =	swait.ge [sflag:s23], $0x1  }
0xa9: {  	[sflag:s23] =	ssyncset.done $0x0  }
0xaa: {  	s25 =	simm.s32 $0x1B8E;
	s24 =	sld [smem:$0x3FFE];
	[sflag:s23] =	ssyncadd.s32 $0xFFFFFFFF  }
0xab: {  	s26 =	simm.s32 $execute0_lowered;
	[smem:$0x3FD2] =	sst s25  }
0xac: {  	s6 =	sshll.u32 s26, $0x1;
	_ =	strace $0x80000046;
	[dreg:$0x1] =	wrdreg $0xFFFFFFFF  }
0xad: {  	s28 =	simm.s32 $_size_execute0_lowered;
	s4 =	sadd.s32 s4, s6;
	[dreg:$0x0] =	wrdreg $0x0  }
0xae: {  	s6 =	sshll.u32 s28, $0x1;
	[dreg:$0x2] =	wrdreg s4  }
0xaf: {  	[dreg:$0x3] =	wrdreg s6  }
0xb0: {  	[dreg:$0x4] =	wrdreg $0xC0  }
0xb1: {  	_ =	task [dreg:s8], $0x5FFFF  }
0xb2: {  	[dreg:$0x1] =	wrdreg $0xFFFFFFFF  }
0xb3: {  	[dreg:$0x0] =	wrdreg $0x60  }
0xb4: {  	[dreg:$0x2] =	wrdreg s24  }
0xb5: {  	[dreg:$0x3] =	wrdreg s15  }
0xb6: {  	[dreg:$0x4] =	wrdreg s16  }
0xb7: {  	[dreg:$0x5] =	wrdreg $0x142000  }
0xb8: {  	[dreg:$0x6] =	wrdreg $0x9  }
0xb9: {  	_ =	task.clear_ibuf [dreg:s8], $0x7FFFF;
	_ =	strace $0x90000046  }
0xba: {  	s29 =	simm.s32 $0x9;
	_ =	strace $0x80000048  }
0xbb: {  	_ =	swait.ge [sflag:s29], $0x1  }
0xbc: {  	[sflag:s29] =	ssyncadd.s32 $0xFFFFFFFF  }
0xbd: {  	_ =	strace $0x90000048  }
0xbe: {  	_ =	sfence  }
0xbf: {  	s30 =	sld [smem:$0x0];
	_ =	sdelay $0x2  }
0xc0: {  	s31 =	sshll.u32 s1, $0xD;
	s1 =	sshrl.u32 s1, $0x2  }
0xc1: {  	s3 =	sand.u32 $0x4000, s31;
	s1 =	sadd.s32 s1, s30  }
0xc2: {  	s0 =	sor.u32 s3, s0;
	s1 =	sshll.u32 s1, $0x11  }
0xc3: {  	s0 =	sor.u32 s1, s0  }
0xc4: {  	s0 =	sadd.s32 $0x8F2B, s0  }
0xc5: {  	[sflag:s0] =	ssyncadd.remote.s32 $0x1  }
0xc6: {  	_ =	sfence.sel $0xFFFF  }
0xc7: {  	[dreg:$0x0] =	wrdreg $0xFFFFFFFF;
	(pc) =	sbr.abs _section_cstart, $3  }
0xc8: {  	[dreg:$0x1] =	wrdreg $0xFFFFFFFF  }
0xc9: {  	_ =	task.clear_ibuf [dreg:s8], $0x2FFFF;
	_ =	strace $0x9FFFFFFF  }
0xca: {  	(tm) =	ssettm $0x7FFFFFFF  }
0xcb: {  	_ =	shalt  }
tec
execute0_lowered:
.L_overlay_start_1:
0x0: {  	(tag) =	ssettag $0x1  }
0x1: {  	s0 =	rddreg [dreg:$0x0]  }
0x2: {  	s1 =	rddreg [dreg:$0x1]  }
0x3: {  	s10 =	rddreg [dreg:$0x2]  }
0x4: {  	s2 =	rddreg [dreg:$0x3]  }
0x5: {  	s3 =	simm.s32 $0x0;
	s4 =	srdreg.scid;
	s12 =	stileid.u32  }
0x6: {  	s14 =	simm.s32 $0x100;
	s15 =	simm.s32 $0x180;
	s28 =	simm.s32 $0x6180  }
0x7: {  	s17 =	simm.s32 $0x10980;
	s18 =	simm.s32 $0x11180;
	s19 =	simm.s32 $0x11980  }
0x8: {  	s20 =	simm.s32 $0x60;
	s21 =	simm.s32 $0x12180;
	s22 =	simm.s32 $0x1  }
0x9: {  	[smem:$0x7FF] =	sst s3;
	s4 =	sand.u32 $0x1, s4;
	s5 =	sshll.u32 s12, $0x1  }
0xa: {  	s9 =	sadd.s32 $0x51000, s0;
	p0 =	sne.s32 s12, $0x0;
	s12 =	simm.s32 $0x4  }
0xb: {  	_ =	strace $0x80000047;
	s6 =	ssub.s32 $0x2, s4;
	s7 =	sor.u32 s4, s5  }
0xc: {  	s4 =	sshll.u32 s4, $0x4;
	s23 =	sshrl.u32 s6, $0x1;
	s8 =	smul.u32 $0x120, s7  }
0xd: {  	s0 =	sadd.s32 s4, s0;
	s29 =	smul.u32 $0x2400, s7;
	s11 =	ssub.s32 s6, s23  }
0xe: {  	s7 =	sadd.s32 $0x51600, s0;
	s23 =	simm.s32 $0xC180;
	s24 =	sshrl.u32 s8, $0x3  }
0xf: {  	s13 =	sadd.s32 $0x60, s8;
	s8 =	sadd.s32 $0xC0, s8;
	s11 =	smax.u32 s11, $0x1  }
.Ltmp0:
0x10: {  	s4 =	sadd.s32 s9, s24;
	s25 =	sshrl.u32 s13, $0x3;
	(pc) =	sbr.rel .LBB2_1-.Ltmp0, $4  }
0x11: {  	s26 =	sshrl.u32 s8, $0x3;
	s30 =	sshll.u32 s13, $0x5;
	s31 =	sshll.u32 s8, $0x5  }
0x12: {  	v2 =	vlaneseq.u32;
	vm0 =	vmmov $0xffff;
	s8 =	sadd.s32 s10, s29;
	s13 =	simm.s32 $0x80;
	s24 =	simm.s32 $0x2  }
0x13: {  	v3 =	vimm.f32 $1.000000000e+00;
	v4 =	vimm.f32 $0.0e+00;
	v1 =	vshrl.u32 v2, $0x3;
	s5 =	sadd.s32 s9, s25;
	s6 =	sadd.s32 s9, s26;
	s9 =	sadd.s32 s10, s30  }
0x14: {  	v0 =	vand.u32 $0x7, v2;
	v2 =	vor.u32 $0x8, v2;
	v1 =	vmul.u32 $0x8, v1;
	s10 =	sadd.s32 s10, s31;
	s25 =	simm.s32 $0x3;
	s26 =	simm.s32 $0x0  }
.LBB2_5:
0x15: {  	[bflag:$0x0] =	sbarrier.arrive $0xFFFF  }
0x16: {  	[spmem:s2] =	stream.indirect.scatter.add.f32 [tilespmem:s21], [sflag:$0x4], $0x1, s3, s20, $0xb8;
	[tilespmem:$0x14400] =	vst v63  }
0x17: {  	_ =	swait.ge [sflag:s12], $0x60  }
0x18: {  	[sflag:s12] =	ssyncset.done $0x0  }
0x19: {  	[sflag:s12] =	ssyncadd.s32 $0xFFFFFFA0  }
0x1a: {  	[spmem:s2] =	stream.indirect.scatter.add.f32 [tilespmem:s21], [sflag:$0x4], $0x1, s13, s20, $0xb8;
	[tilespmem:$0x14400] =	vst v63  }
0x1b: {  	_ =	swait.ge [sflag:s12], $0x60  }
0x1c: {  	[sflag:s12] =	ssyncset.done $0x0  }
0x1d: {  	[sflag:s12] =	ssyncadd.s32 $0xFFFFFFA0  }
0x1e: {  	[spmem:s2] =	stream.indirect.scatter.add.f32 [tilespmem:s21], [sflag:$0x4], $0x1, s14, s20, $0xb8;
	[tilespmem:$0x14400] =	vst v63  }
0x1f: {  	_ =	swait.ge [sflag:s12], $0x60  }
0x20: {  	s29 =	sshrl.u32 @!p0 s2, $0x3;
	[sflag:s12] =	ssyncset.done $0x0  }
0x21: {  	s30 =	simm.s32 @!p0 $0x1;
	s31 =	simm.s32 @!p0 $0x20;
	[sflag:s12] =	ssyncadd.s32 $0xFFFFFFA0  }
0x22: {  	s0 =	simm.s32 @!p0 $0x10;
	s16 =	simm.s32 @!p0 $0x1C04;
	[bflag:$0x0] =	sbarrier.arrive $0xFFFF  }
0x23: {  	[hbm:s7@s31], [sflag:s16] =	dma.strided @!p0 [spmem:s29@s0], $0x400, s30, $0x10   }
0x24: {  	s0 =	simm.s32 @!p0 $0x4  }
0x25: {  	_ =	swait.ge @!p0 [sflag:s0], $0x400  }
0x26: {  	[sflag:s0] =	ssyncset.done @!p0 $0x0  }
0x27: {  	[sflag:s0] =	ssyncadd.s32 @!p0 $0xFFFFFC00  }
0x28: {  	_ =	swait.ge [sflag:s22], $0x6000  }
0x29: {  	[sflag:s22] =	ssyncset.done $0x0  }
0x2a: {  	[sflag:s22] =	ssyncadd.s32 $0xFFFFA000  }
0x2b: {  	[hbm4b:s8+s3] =	stream.linear.scatter [tilespmem:s15], [sflag:$0x4], $0x6000, $0x38;
	[tilespmem:$0x14400] =	vst v63  }
0x2c: {  	_ =	swait.ge [sflag:s12], $0x6000  }
0x2d: {  	[sflag:s12] =	ssyncset.done $0x0  }
0x2e: {  	[sflag:s12] =	ssyncadd.s32 $0xFFFFA000  }
0x2f: {  	_ =	swait.ge [sflag:s24], $0x6000  }
0x30: {  	[sflag:s24] =	ssyncset.done $0x0  }
0x31: {  	[sflag:s24] =	ssyncadd.s32 $0xFFFFA000  }
0x32: {  	[hbm4b:s9+s3] =	stream.linear.scatter [tilespmem:s28], [sflag:$0x4], $0x6000, $0x38;
	[tilespmem:$0x14400] =	vst v63  }
0x33: {  	_ =	swait.ge [sflag:s12], $0x6000  }
0x34: {  	[sflag:s12] =	ssyncset.done $0x0  }
0x35: {  	[sflag:s12] =	ssyncadd.s32 $0xFFFFA000  }
0x36: {  	s26 =	sadd.s32 $0x1, s26;
	_ =	swait.ge [sflag:s25], $0x6000  }
0x37: {  	p1 =	sne.s32 s26, s11;
	[sflag:s25] =	ssyncset.done $0x0  }
.Ltmp1:
0x38: {  	[sflag:s25] =	ssyncadd.s32 $0xFFFFA000;
	(pc) =	sbr.rel @!p1 .LBB2_6-.Ltmp1, $4  }
0x39: {  	[hbm4b:s10+s3] =	stream.linear.scatter [tilespmem:s23], [sflag:$0x4], $0x6000, $0x38;
	[tilespmem:$0x14400] =	vst v63  }
0x3a: {  	_ =	swait.ge [sflag:s12], $0x6000  }
0x3b: {  	[sflag:s12] =	ssyncset.done $0x0  }
0x3c: {  	[sflag:s12] =	ssyncadd.s32 $0xFFFFA000  }
.LBB2_1:
0x3d: {  	[tilespmem:s3], [sflag:$0x4] =	stream.linear.gather [hbm4b:s4+s3], $0x60, $0x38;
	[tilespmem:$0x14400] =	vst v63  }
0x3e: {  	_ =	swait.ge [sflag:s12], $0x60  }
0x3f: {  	[sflag:s12] =	ssyncset.done $0x0  }
0x40: {  	[sflag:s12] =	ssyncadd.s32 $0xFFFFFFA0  }
0x41: {  	[tilespmem:s13], [sflag:$0x4] =	stream.linear.gather [hbm4b:s5+s3], $0x60, $0x38;
	[tilespmem:$0x14400] =	vst v63  }
0x42: {  	_ =	swait.ge [sflag:s12], $0x60  }
0x43: {  	[sflag:s12] =	ssyncset.done $0x0  }
0x44: {  	[sflag:s12] =	ssyncadd.s32 $0xFFFFFFA0  }
0x45: {  	[tilespmem:s14], [sflag:$0x4] =	stream.linear.gather [hbm4b:s6+s3], $0x60, $0x38;
	[tilespmem:$0x14400] =	vst v63  }
0x46: {  	_ =	swait.ge [sflag:s12], $0x60  }
0x47: {  	[sflag:s12] =	ssyncset.done $0x0  }
0x48: {  	[sflag:s12] =	ssyncadd.s32 $0xFFFFFFA0  }
0x49: {  	v5 =	vld [tilespmem:$0x0];
	_ =	sdelay $0x4  }
0x4a: {  	v6 =	vshll.u32 v5, $0x1  }
0x4b: {  	v5 =	vand.u32 $0x7, v5;
	v6 =	vand.u32 $0xFFFFFFF0, v6  }
0x4c: {  	v5 =	vor.u32 v5, v6  }
0x4d: {  	v6 =	vperm.xlane v5, v0;
	_ =	sdelay $0x1  }
0x4e: {  	v5 =	vperm.xlane v5, v2;
	v6 =	vadd.s32 v1, v6;
	_ =	sdelay $0x1  }
0x4f: {  	v5 =	vadd.s32 v1, v5;
	_ =	sdelay $0x2  }
0x50: {  	[tilespmem:s15], [sflag:$0x1] =	stream.indirect_vreg.gather [hbm4b:s1+s3], $0x80, v6, vm0, $0xb8;
	[tilespmem:$0x14400] =	vst v63  }
0x51: {  	s0 =	simm.s32 $0x980  }
0x52: {  	[tilespmem:s0], [sflag:$0x1] =	stream.indirect_vreg.gather [hbm4b:s1+s3], $0x80, v5, vm0, $0xb8;
	[tilespmem:$0x14400] =	vst v63  }
0x53: {  	v5 =	vld [tilespmem:$0x10];
	_ =	sdelay $0x4  }
0x54: {  	v6 =	vshll.u32 v5, $0x1  }
0x55: {  	v5 =	vand.u32 $0x7, v5;
	v6 =	vand.u32 $0xFFFFFFF0, v6  }
0x56: {  	v5 =	vor.u32 v5, v6  }
0x57: {  	v6 =	vperm.xlane v5, v0;
	_ =	sdelay $0x1  }
0x58: {  	v5 =	vperm.xlane v5, v2;
	v6 =	vadd.s32 v1, v6;
	_ =	sdelay $0x1  }
0x59: {  	v5 =	vadd.s32 v1, v5;
	_ =	sdelay $0x1  }
0x5a: {  	s31 =	simm.s32 $0x1180  }
0x5b: {  	[tilespmem:s31], [sflag:$0x1] =	stream.indirect_vreg.gather [hbm4b:s1+s3], $0x80, v6, vm0, $0xb8;
	[tilespmem:$0x14400] =	vst v63  }
0x5c: {  	s16 =	simm.s32 $0x1980  }
0x5d: {  	[tilespmem:s16], [sflag:$0x1] =	stream.indirect_vreg.gather [hbm4b:s1+s3], $0x80, v5, vm0, $0xb8;
	[tilespmem:$0x14400] =	vst v63  }
0x5e: {  	v5 =	vld [tilespmem:$0x20];
	_ =	sdelay $0x4  }
0x5f: {  	v6 =	vshll.u32 v5, $0x1  }
0x60: {  	v5 =	vand.u32 $0x7, v5;
	v6 =	vand.u32 $0xFFFFFFF0, v6  }
0x61: {  	v5 =	vor.u32 v5, v6  }
0x62: {  	v6 =	vperm.xlane v5, v0;
	_ =	sdelay $0x1  }
0x63: {  	v5 =	vperm.xlane v5, v2;
	v6 =	vadd.s32 v1, v6;
	_ =	sdelay $0x1  }
0x64: {  	v5 =	vadd.s32 v1, v5;
	_ =	sdelay $0x1  }
0x65: {  	s29 =	simm.s32 $0x2180  }
0x66: {  	[tilespmem:s29], [sflag:$0x1] =	stream.indirect_vreg.gather [hbm4b:s1+s3], $0x80, v6, vm0, $0xb8;
	[tilespmem:$0x14400] =	vst v63  }
0x67: {  	s30 =	simm.s32 $0x2980  }
0x68: {  	[tilespmem:s30], [sflag:$0x1] =	stream.indirect_vreg.gather [hbm4b:s1+s3], $0x80, v5, vm0, $0xb8;
	[tilespmem:$0x14400] =	vst v63  }
0x69: {  	v5 =	vld [tilespmem:$0x30];
	_ =	sdelay $0x4  }
0x6a: {  	v6 =	vshll.u32 v5, $0x1  }
0x6b: {  	v5 =	vand.u32 $0x7, v5;
	v6 =	vand.u32 $0xFFFFFFF0, v6  }
0x6c: {  	v5 =	vor.u32 v5, v6  }
0x6d: {  	v6 =	vperm.xlane v5, v0;
	_ =	sdelay $0x1  }
0x6e: {  	v5 =	vperm.xlane v5, v2;
	v6 =	vadd.s32 v1, v6;
	_ =	sdelay $0x1  }
0x6f: {  	v5 =	vadd.s32 v1, v5;
	_ =	sdelay $0x1  }
0x70: {  	s31 =	simm.s32 $0x3180  }
0x71: {  	[tilespmem:s31], [sflag:$0x1] =	stream.indirect_vreg.gather [hbm4b:s1+s3], $0x80, v6, vm0, $0xb8;
	[tilespmem:$0x14400] =	vst v63  }
0x72: {  	s16 =	simm.s32 $0x3980  }
0x73: {  	[tilespmem:s16], [sflag:$0x1] =	stream.indirect_vreg.gather [hbm4b:s1+s3], $0x80, v5, vm0, $0xb8;
	[tilespmem:$0x14400] =	vst v63  }
0x74: {  	v5 =	vld [tilespmem:$0x40];
	_ =	sdelay $0x4  }
0x75: {  	v6 =	vshll.u32 v5, $0x1  }
0x76: {  	v5 =	vand.u32 $0x7, v5;
	v6 =	vand.u32 $0xFFFFFFF0, v6  }
0x77: {  	v5 =	vor.u32 v5, v6  }
0x78: {  	v6 =	vperm.xlane v5, v0;
	_ =	sdelay $0x1  }
0x79: {  	v5 =	vperm.xlane v5, v2;
	v6 =	vadd.s32 v1, v6;
	_ =	sdelay $0x1  }
0x7a: {  	v5 =	vadd.s32 v1, v5;
	_ =	sdelay $0x1  }
0x7b: {  	s29 =	simm.s32 $0x4180  }
0x7c: {  	[tilespmem:s29], [sflag:$0x1] =	stream.indirect_vreg.gather [hbm4b:s1+s3], $0x80, v6, vm0, $0xb8;
	[tilespmem:$0x14400] =	vst v63  }
0x7d: {  	s30 =	simm.s32 $0x4980  }
0x7e: {  	[tilespmem:s30], [sflag:$0x1] =	stream.indirect_vreg.gather [hbm4b:s1+s3], $0x80, v5, vm0, $0xb8;
	[tilespmem:$0x14400] =	vst v63  }
0x7f: {  	v5 =	vld [tilespmem:$0x50];
	_ =	sdelay $0x4  }
0x80: {  	v6 =	vshll.u32 v5, $0x1  }
0x81: {  	v5 =	vand.u32 $0x7, v5;
	v6 =	vand.u32 $0xFFFFFFF0, v6  }
0x82: {  	v5 =	vor.u32 v5, v6  }
0x83: {  	v6 =	vperm.xlane v5, v0;
	_ =	sdelay $0x1  }
0x84: {  	v5 =	vperm.xlane v5, v2;
	v6 =	vadd.s32 v1, v6;
	_ =	sdelay $0x1  }
0x85: {  	v5 =	vadd.s32 v1, v5;
	_ =	sdelay $0x1  }
0x86: {  	s31 =	simm.s32 $0x5180  }
0x87: {  	[tilespmem:s31], [sflag:$0x1] =	stream.indirect_vreg.gather [hbm4b:s1+s3], $0x80, v6, vm0, $0xb8;
	[tilespmem:$0x14400] =	vst v63  }
0x88: {  	s16 =	simm.s32 $0x5980  }
0x89: {  	[tilespmem:s16], [sflag:$0x1] =	stream.indirect_vreg.gather [hbm4b:s1+s3], $0x80, v5, vm0, $0xb8;
	[tilespmem:$0x14400] =	vst v63  }
0x8a: {  	v5 =	vld [tilespmem:$0x80];
	_ =	sdelay $0x4  }
0x8b: {  	v6 =	vshll.u32 v5, $0x1  }
0x8c: {  	v5 =	vand.u32 $0x7, v5;
	v6 =	vand.u32 $0xFFFFFFF0, v6  }
0x8d: {  	v5 =	vor.u32 v5, v6  }
0x8e: {  	v6 =	vperm.xlane v5, v0;
	_ =	sdelay $0x1  }
0x8f: {  	v5 =	vperm.xlane v5, v2;
	v6 =	vadd.s32 v1, v6;
	_ =	sdelay $0x1  }
0x90: {  	v5 =	vadd.s32 v1, v5;
	_ =	sdelay $0x2  }
0x91: {  	[tilespmem:s28], [sflag:$0x2] =	stream.indirect_vreg.gather [hbm4b:s1+s3], $0x80, v6, vm0, $0xb8;
	[tilespmem:$0x14400] =	vst v63  }
0x92: {  	s29 =	simm.s32 $0x6980  }
0x93: {  	[tilespmem:s29], [sflag:$0x2] =	stream.indirect_vreg.gather [hbm4b:s1+s3], $0x80, v5, vm0, $0xb8;
	[tilespmem:$0x14400] =	vst v63  }
0x94: {  	v5 =	vld [tilespmem:$0x90];
	_ =	sdelay $0x4  }
0x95: {  	v6 =	vshll.u32 v5, $0x1  }
0x96: {  	v5 =	vand.u32 $0x7, v5;
	v6 =	vand.u32 $0xFFFFFFF0, v6  }
0x97: {  	v5 =	vor.u32 v5, v6  }
0x98: {  	v6 =	vperm.xlane v5, v0;
	_ =	sdelay $0x1  }
0x99: {  	v5 =	vperm.xlane v5, v2;
	v6 =	vadd.s32 v1, v6;
	_ =	sdelay $0x1  }
0x9a: {  	v5 =	vadd.s32 v1, v5;
	_ =	sdelay $0x1  }
0x9b: {  	s30 =	simm.s32 $0x7180  }
0x9c: {  	[tilespmem:s30], [sflag:$0x2] =	stream.indirect_vreg.gather [hbm4b:s1+s3], $0x80, v6, vm0, $0xb8;
	[tilespmem:$0x14400] =	vst v63  }
0x9d: {  	s31 =	simm.s32 $0x7980  }
0x9e: {  	[tilespmem:s31], [sflag:$0x2] =	stream.indirect_vreg.gather [hbm4b:s1+s3], $0x80, v5, vm0, $0xb8;
	[tilespmem:$0x14400] =	vst v63  }
0x9f: {  	v5 =	vld [tilespmem:$0xA0];
	_ =	sdelay $0x4  }
0xa0: {  	v6 =	vshll.u32 v5, $0x1  }
0xa1: {  	v5 =	vand.u32 $0x7, v5;
	v6 =	vand.u32 $0xFFFFFFF0, v6  }
0xa2: {  	v5 =	vor.u32 v5, v6  }
0xa3: {  	v6 =	vperm.xlane v5, v0;
	_ =	sdelay $0x1  }
0xa4: {  	v5 =	vperm.xlane v5, v2;
	v6 =	vadd.s32 v1, v6;
	_ =	sdelay $0x1  }
0xa5: {  	v5 =	vadd.s32 v1, v5;
	_ =	sdelay $0x1  }
0xa6: {  	s16 =	simm.s32 $0x8180  }
0xa7: {  	[tilespmem:s16], [sflag:$0x2] =	stream.indirect_vreg.gather [hbm4b:s1+s3], $0x80, v6, vm0, $0xb8;
	[tilespmem:$0x14400] =	vst v63  }
0xa8: {  	s29 =	simm.s32 $0x8980  }
0xa9: {  	[tilespmem:s29], [sflag:$0x2] =	stream.indirect_vreg.gather [hbm4b:s1+s3], $0x80, v5, vm0, $0xb8;
	[tilespmem:$0x14400] =	vst v63  }
0xaa: {  	v5 =	vld [tilespmem:$0xB0];
	_ =	sdelay $0x4  }
0xab: {  	v6 =	vshll.u32 v5, $0x1  }
0xac: {  	v5 =	vand.u32 $0x7, v5;
	v6 =	vand.u32 $0xFFFFFFF0, v6  }
0xad: {  	v5 =	vor.u32 v5, v6  }
0xae: {  	v6 =	vperm.xlane v5, v0;
	_ =	sdelay $0x1  }
0xaf: {  	v5 =	vperm.xlane v5, v2;
	v6 =	vadd.s32 v1, v6;
	_ =	sdelay $0x1  }
0xb0: {  	v5 =	vadd.s32 v1, v5;
	_ =	sdelay $0x1  }
0xb1: {  	s30 =	simm.s32 $0x9180  }
0xb2: {  	[tilespmem:s30], [sflag:$0x2] =	stream.indirect_vreg.gather [hbm4b:s1+s3], $0x80, v6, vm0, $0xb8;
	[tilespmem:$0x14400] =	vst v63  }
0xb3: {  	s31 =	simm.s32 $0x9980  }
0xb4: {  	[tilespmem:s31], [sflag:$0x2] =	stream.indirect_vreg.gather [hbm4b:s1+s3], $0x80, v5, vm0, $0xb8;
	[tilespmem:$0x14400] =	vst v63  }
0xb5: {  	v5 =	vld [tilespmem:$0xC0];
	_ =	sdelay $0x4  }
0xb6: {  	v6 =	vshll.u32 v5, $0x1  }
0xb7: {  	v5 =	vand.u32 $0x7, v5;
	v6 =	vand.u32 $0xFFFFFFF0, v6  }
0xb8: {  	v5 =	vor.u32 v5, v6  }
0xb9: {  	v6 =	vperm.xlane v5, v0;
	_ =	sdelay $0x1  }
0xba: {  	v5 =	vperm.xlane v5, v2;
	v6 =	vadd.s32 v1, v6;
	_ =	sdelay $0x1  }
0xbb: {  	v5 =	vadd.s32 v1, v5;
	_ =	sdelay $0x1  }
0xbc: {  	s16 =	simm.s32 $0xA180  }
0xbd: {  	[tilespmem:s16], [sflag:$0x2] =	stream.indirect_vreg.gather [hbm4b:s1+s3], $0x80, v6, vm0, $0xb8;
	[tilespmem:$0x14400] =	vst v63  }
0xbe: {  	s29 =	simm.s32 $0xA980  }
0xbf: {  	[tilespmem:s29], [sflag:$0x2] =	stream.indirect_vreg.gather [hbm4b:s1+s3], $0x80, v5, vm0, $0xb8;
	[tilespmem:$0x14400] =	vst v63  }
0xc0: {  	v5 =	vld [tilespmem:$0xD0];
	_ =	sdelay $0x4  }
0xc1: {  	v6 =	vshll.u32 v5, $0x1  }
0xc2: {  	v5 =	vand.u32 $0x7, v5;
	v6 =	vand.u32 $0xFFFFFFF0, v6  }
0xc3: {  	v5 =	vor.u32 v5, v6  }
0xc4: {  	v6 =	vperm.xlane v5, v0;
	_ =	sdelay $0x1  }
0xc5: {  	v5 =	vperm.xlane v5, v2;
	v6 =	vadd.s32 v1, v6;
	_ =	sdelay $0x1  }
0xc6: {  	v5 =	vadd.s32 v1, v5;
	_ =	sdelay $0x1  }
0xc7: {  	s30 =	simm.s32 $0xB180  }
0xc8: {  	[tilespmem:s30], [sflag:$0x2] =	stream.indirect_vreg.gather [hbm4b:s1+s3], $0x80, v6, vm0, $0xb8;
	[tilespmem:$0x14400] =	vst v63  }
0xc9: {  	s31 =	simm.s32 $0xB980  }
0xca: {  	[tilespmem:s31], [sflag:$0x2] =	stream.indirect_vreg.gather [hbm4b:s1+s3], $0x80, v5, vm0, $0xb8;
	[tilespmem:$0x14400] =	vst v63  }
0xcb: {  	v5 =	vld [tilespmem:$0x100];
	_ =	sdelay $0x4  }
0xcc: {  	v6 =	vshll.u32 v5, $0x1  }
0xcd: {  	v5 =	vand.u32 $0x7, v5;
	v6 =	vand.u32 $0xFFFFFFF0, v6  }
0xce: {  	v5 =	vor.u32 v5, v6  }
0xcf: {  	v6 =	vperm.xlane v5, v0;
	_ =	sdelay $0x1  }
0xd0: {  	v5 =	vperm.xlane v5, v2;
	v6 =	vadd.s32 v1, v6;
	_ =	sdelay $0x1  }
0xd1: {  	v5 =	vadd.s32 v1, v5;
	_ =	sdelay $0x2  }
0xd2: {  	[tilespmem:s23], [sflag:$0x3] =	stream.indirect_vreg.gather [hbm4b:s1+s3], $0x80, v6, vm0, $0xb8;
	[tilespmem:$0x14400] =	vst v63  }
0xd3: {  	s16 =	simm.s32 $0xC980  }
0xd4: {  	[tilespmem:s16], [sflag:$0x3] =	stream.indirect_vreg.gather [hbm4b:s1+s3], $0x80, v5, vm0, $0xb8;
	[tilespmem:$0x14400] =	vst v63  }
0xd5: {  	v5 =	vld [tilespmem:$0x110];
	_ =	sdelay $0x4  }
0xd6: {  	v6 =	vshll.u32 v5, $0x1  }
0xd7: {  	v5 =	vand.u32 $0x7, v5;
	v6 =	vand.u32 $0xFFFFFFF0, v6  }
0xd8: {  	v5 =	vor.u32 v5, v6  }
0xd9: {  	v6 =	vperm.xlane v5, v0;
	_ =	sdelay $0x1  }
0xda: {  	v5 =	vperm.xlane v5, v2;
	v6 =	vadd.s32 v1, v6;
	_ =	sdelay $0x1  }
0xdb: {  	v5 =	vadd.s32 v1, v5;
	_ =	sdelay $0x1  }
0xdc: {  	s29 =	simm.s32 $0xD180  }
0xdd: {  	[tilespmem:s29], [sflag:$0x3] =	stream.indirect_vreg.gather [hbm4b:s1+s3], $0x80, v6, vm0, $0xb8;
	[tilespmem:$0x14400] =	vst v63  }
0xde: {  	s30 =	simm.s32 $0xD980  }
0xdf: {  	[tilespmem:s30], [sflag:$0x3] =	stream.indirect_vreg.gather [hbm4b:s1+s3], $0x80, v5, vm0, $0xb8;
	[tilespmem:$0x14400] =	vst v63  }
0xe0: {  	v5 =	vld [tilespmem:$0x120];
	_ =	sdelay $0x4  }
0xe1: {  	v6 =	vshll.u32 v5, $0x1  }
0xe2: {  	v5 =	vand.u32 $0x7, v5;
	v6 =	vand.u32 $0xFFFFFFF0, v6  }
0xe3: {  	v5 =	vor.u32 v5, v6  }
0xe4: {  	v6 =	vperm.xlane v5, v0;
	_ =	sdelay $0x1  }
0xe5: {  	v5 =	vperm.xlane v5, v2;
	v6 =	vadd.s32 v1, v6;
	_ =	sdelay $0x1  }
0xe6: {  	v5 =	vadd.s32 v1, v5;
	_ =	sdelay $0x1  }
0xe7: {  	s31 =	simm.s32 $0xE180  }
0xe8: {  	[tilespmem:s31], [sflag:$0x3] =	stream.indirect_vreg.gather [hbm4b:s1+s3], $0x80, v6, vm0, $0xb8;
	[tilespmem:$0x14400] =	vst v63  }
0xe9: {  	s16 =	simm.s32 $0xE980  }
0xea: {  	[tilespmem:s16], [sflag:$0x3] =	stream.indirect_vreg.gather [hbm4b:s1+s3], $0x80, v5, vm0, $0xb8;
	[tilespmem:$0x14400] =	vst v63  }
0xeb: {  	v5 =	vld [tilespmem:$0x130];
	_ =	sdelay $0x4  }
0xec: {  	v6 =	vshll.u32 v5, $0x1  }
0xed: {  	v5 =	vand.u32 $0x7, v5;
	v6 =	vand.u32 $0xFFFFFFF0, v6  }
0xee: {  	v5 =	vor.u32 v5, v6  }
0xef: {  	v6 =	vperm.xlane v5, v0;
	_ =	sdelay $0x1  }
0xf0: {  	v5 =	vperm.xlane v5, v2;
	v6 =	vadd.s32 v1, v6;
	_ =	sdelay $0x1  }
0xf1: {  	v5 =	vadd.s32 v1, v5;
	_ =	sdelay $0x1  }
0xf2: {  	s29 =	simm.s32 $0xF180  }
0xf3: {  	[tilespmem:s29], [sflag:$0x3] =	stream.indirect_vreg.gather [hbm4b:s1+s3], $0x80, v6, vm0, $0xb8;
	[tilespmem:$0x14400] =	vst v63  }
0xf4: {  	s30 =	simm.s32 $0xF980  }
0xf5: {  	[tilespmem:s30], [sflag:$0x3] =	stream.indirect_vreg.gather [hbm4b:s1+s3], $0x80, v5, vm0, $0xb8;
	[tilespmem:$0x14400] =	vst v63  }
0xf6: {  	v5 =	vld [tilespmem:$0x140];
	_ =	sdelay $0x4  }
0xf7: {  	v6 =	vshll.u32 v5, $0x1  }
0xf8: {  	v5 =	vand.u32 $0x7, v5;
	v6 =	vand.u32 $0xFFFFFFF0, v6  }
0xf9: {  	v5 =	vor.u32 v5, v6  }
0xfa: {  	v6 =	vperm.xlane v5, v0;
	_ =	sdelay $0x1  }
0xfb: {  	v5 =	vperm.xlane v5, v2;
	v6 =	vadd.s32 v1, v6;
	_ =	sdelay $0x1  }
0xfc: {  	v5 =	vadd.s32 v1, v5;
	_ =	sdelay $0x1  }
0xfd: {  	s31 =	simm.s32 $0x10180  }
0xfe: {  	[tilespmem:s31], [sflag:$0x3] =	stream.indirect_vreg.gather [hbm4b:s1+s3], $0x80, v6, vm0, $0xb8;
	[tilespmem:$0x14400] =	vst v63  }
0xff: {  	_ = 	snop  }
0x100: {  	[tilespmem:s17], [sflag:$0x3] =	stream.indirect_vreg.gather [hbm4b:s1+s3], $0x80, v5, vm0, $0xb8;
	[tilespmem:$0x14400] =	vst v63  }
0x101: {  	v5 =	vld [tilespmem:$0x150];
	_ =	sdelay $0x4  }
0x102: {  	v6 =	vshll.u32 v5, $0x1  }
0x103: {  	v5 =	vand.u32 $0x7, v5;
	v6 =	vand.u32 $0xFFFFFFF0, v6  }
0x104: {  	v5 =	vor.u32 v5, v6  }
0x105: {  	v6 =	vperm.xlane v5, v0;
	_ =	sdelay $0x1  }
0x106: {  	v5 =	vperm.xlane v5, v2;
	v6 =	vadd.s32 v1, v6;
	_ =	sdelay $0x1  }
0x107: {  	v5 =	vadd.s32 v1, v5;
	_ =	sdelay $0x2  }
0x108: {  	[tilespmem:s18], [sflag:$0x3] =	stream.indirect_vreg.gather [hbm4b:s1+s3], $0x80, v6, vm0, $0xb8;
	[tilespmem:$0x14400] =	vst v63  }
0x109: {  	_ = 	snop  }
0x10a: {  	[tilespmem:s19], [sflag:$0x3] =	stream.indirect_vreg.gather [hbm4b:s1+s3], $0x80, v5, vm0, $0xb8;
	[tilespmem:$0x14400] =	vst v63  }
0x10b: {  	[tilespmem:$0x12180] =	vst v3  }
.Ltmp2:
0x10c: {  	[tilespmem:$0x12190] =	vst v3;
	(pc) =	sbr.rel @p0 .LBB2_5-.Ltmp2, $4  }
0x10d: {  	[tilespmem:$0x121A0] =	vst v3  }
0x10e: {  	[tilespmem:$0x121B0] =	vst v3  }
0x10f: {  	[tilespmem:$0x121C0] =	vst v3  }
0x110: {  	[tilespmem:$0x121D0] =	vst v3  }
0x111: {  	s29 =	simm.s32 $0x40;
	s30 =	simm.s32 $0x0  }
.LBB2_3:
0x112: {  	p1 =	sne.s32 s29, $0x7FC0;
	[tilespmem:s30+$0x12200] =	vst v4;
	s30 =	smov.u32 s29;
	s29 =	sadd.s32 $0x40, s29  }
.Ltmp3:
0x113: {  	(pc) =	sbr.rel @p1 .LBB2_3-.Ltmp3, $2  }
0x114: {  	_ =	sdelay $0x2  }
0x115: {  	s30 =	sshra.s32 s30, $0x2  }
.Ltmp4:
0x116: {  	[tilespmem:s30+$0x12200] =	vst v4;
	s0 =	simm.s32 $0x12200;
	(pc) =	sbr.rel .LBB2_5-.Ltmp4, $4  }
0x117: {  	[spmem:s2] =	stream.linear.scatter [tilespmem:s0], [sflag:$0x4], $0x2000, $0x38;
	[tilespmem:$0x14400] =	vst v63  }
0x118: {  	_ =	swait.ge [sflag:s12], $0x2000  }
0x119: {  	[sflag:s12] =	ssyncset.done $0x0  }
0x11a: {  	[sflag:s12] =	ssyncadd.s32 $0xFFFFE000  }
.LBB2_6:
0x11b: {  	_ =	sfence.sel $0x180000  }
0x11c: {  	[bflag:$0x0] =	sbarrier.arrive $0xFFFF  }
0x11d: {  	_ =	strace $0x90000047  }
0x11e: {  	[bflag:$0x2] =	sbarrier.arrive $0xFFFF  }
0x11f: {  	s0 =	rddreg [dreg:$0x4]  }
0x120: {  	s0 =	sadd.s32 @!p0 $0x100000, s0  }
0x121: {  	[sflag:s0] =	ssyncadd.tile.s32 @!p0 $0x1;
	_ =	shalt  }
.Lfunc_end2:
_tile_overlayer_lowered:
.L_overlay_start_2:
0x122: {  	(tag) =	ssettag $0x2  }
0x123: {  	s0 =	rddreg [dreg:$0x0];
	s2 =	stileid.u32  }
0x124: {  	s1 =	rddreg [dreg:$0x1];
	p0 =	sne.s32 s2, $0x0  }
0x125: {  	s3 =	rddreg [dreg:$0x2];
	[bflag:$0x3] =	sbarrier.arrive $0xFFFF;
	s2 =	simm.s32 @!p0 $0x1C04  }
0x126: {  	[timem:s3], [sflag:s2] =	dma.local @!p0 [hbm:s0], s1  }
0x127: {  	s0 =	simm.s32 @!p0 $0x4  }
0x128: {  	_ =	swait.ge @!p0 [sflag:s0], s1  }
0x129: {  	s1 =	ssub.s32 @!p0 $0x0, s1;
	[sflag:s0] =	ssyncset.done @!p0 $0x0  }
0x12a: {  	[sflag:s0] =	ssyncadd.s32 @!p0 s1  }
0x12b: {  	[bflag:$0x3] =	sbarrier.arrive $0xFFFF  }
0x12c: {  	_ =	shalt  }

</sc_bundles>
